<compile_context>
chip_gen: v7x
topology: tpu7x:2x2x1
jax: 0.10.2.dev20260603
libtpu: 0.0.44.dev20260713+nightly
codegen_flags: <defaults>
</compile_context>

<pallas_src>
import jax
import jax.numpy as jnp
from jax import lax
from jax.experimental import pallas as pl
from jax.experimental.pallas import tpu as pltpu
from jax.experimental.pallas import tpu_sc as plsc

NREL = 1000
B = 1024

NC = 2
NS = 16
NW = NC * NS
BPW = B // NW

G = 3
SZS = [G] * (BPW // G) + ([BPW % G] if BPW % G else [])
OFFS = [G * i for i in range(len(SZS))]
NCH = len(SZS)


def _weight_body(relp_hbm, w_hbm, w_out,
                 idxp, wbufs, gsems, wsems):
    cid = lax.axis_index("c")
    sid = lax.axis_index("s")
    wid = sid * NC + cid
    base = wid * BPW

    pltpu.sync_copy(relp_hbm.at[wid], idxp)

    def gather(k):
        return pltpu.async_copy(
            w_hbm.at[idxp.at[k, pl.ds(0, SZS[k])]],
            wbufs[k % 2].at[pl.ds(0, SZS[k])], gsems[k % 2])

    gath = [gather(0), gather(1)]
    wrs = [None, None]
    for j in range(NCH):
        b = j % 2
        gath[b].wait()
        wrs[b] = pltpu.async_copy(
            wbufs[b].at[pl.ds(0, SZS[j])],
            w_out.at[pl.ds(base + OFFS[j], SZS[j])], wsems[b])
        k = j + 2
        if k < NCH:
            wrs[b].wait()
            gath[b] = gather(k)

    wrs[(NCH - 2) % 2].wait()
    wrs[(NCH - 1) % 2].wait()


def _bias_body(idx_ref, b_ref, out_ref):
    def body(i, carry):
        out_ref[pl.ds(i, 1)] = b_ref[pl.ds(idx_ref[i], 1)]
        return carry
    lax.fori_loop(0, B, body, 0)


@jax.jit
def kernel(relation, mlp_weight, mlp_bias):
    pos = jnp.minimum(
        jnp.array(OFFS, jnp.int32)[:, None] + jnp.arange(8, dtype=jnp.int32),
        BPW - 1)
    relp = relation.reshape(NW, BPW)[:, pos]

    wk = pl.kernel(
        _weight_body,
        out_type=jax.ShapeDtypeStruct((B, 128, 128), jnp.float32),
        mesh=plsc.VectorSubcoreMesh(core_axis_name="c", subcore_axis_name="s"),
        scratch_types=[
            pltpu.VMEM((NCH, 8), jnp.int32),
            tuple(pltpu.VMEM((G, 128, 128), jnp.float32) for _ in range(2)),
            tuple(pltpu.SemaphoreType.DMA for _ in range(2)),
            tuple(pltpu.SemaphoreType.DMA for _ in range(2)),
        ],
    )
    w_out = wk(relp, mlp_weight)

    b_out = pl.pallas_call(
        _bias_body,
        grid_spec=pltpu.PrefetchScalarGridSpec(
            num_scalar_prefetch=1,
            grid=(1,),
            in_specs=[
                pl.BlockSpec((NREL, 8, 128), lambda i, idx: (0, 0, 0)),
            ],
            out_specs=pl.BlockSpec((B, 8, 128), lambda i, idx: (0, 0, 0)),
        ),
        out_shape=jax.ShapeDtypeStruct((B, 8, 128), jnp.float32),
    )(relation, mlp_bias)

    return w_out, b_out

# --- scband reference (transcript-rebuilt; emitter-appended) ---
"""Pipeline reference for scband-relation-mlp-89223650607494 (READ-ONLY COPY).

The authoritative reference and input builder live on the scoring server;
editing this copy changes nothing except your own understanding.
"""

import jax, jax.numpy as jnp
import numpy as np

NRELATION = 1000
INPUT_DIM = 128
OUTPUT_DIM = 128
NGAUSS = 8
BATCH = 1024


def setup_inputs(seed: int = 0) -> dict:
    key = jax.random.key(seed)
    k1, k2, k3 = jax.random.split(key, 3)
    relation = jax.random.randint(k1, (BATCH,), 0, NRELATION, dtype=jnp.int64 if jax.config.jax_enable_x64 else jnp.int32).astype(jnp.int32)
    # kaiming_uniform_(a=sqrt(5)) on [nrelation, input_dim, output_dim]:
    # fan_in = input_dim * output_dim? torch computes fan_in over dims [1:] => fan_in = input_dim (dim 1 is in, receptive field = output_dim? ) -- torch's _calculate_fan_in_and_fan_out on a 3D tensor: fan_in = size(1)*prod(size(2:)) = input_dim*output_dim, fan_out = size(0)*prod(size(2:)).
    # Faithful enough: uniform bounds from kaiming with a=sqrt(5): gain = sqrt(2/(1+5)) = sqrt(1/3); bound = gain*sqrt(3/fan_in)
    fan_in = INPUT_DIM * OUTPUT_DIM
    gain = np.sqrt(2.0 / (1.0 + 5.0))
    w_bound = gain * np.sqrt(3.0 / fan_in)
    mlp_weight = jax.random.uniform(k2, (NRELATION, INPUT_DIM, OUTPUT_DIM), dtype=jnp.float32, minval=-w_bound, maxval=w_bound)
    b_bound = 1.0 / np.sqrt(fan_in)
    mlp_bias = jax.random.uniform(k3, (NRELATION, NGAUSS, OUTPUT_DIM), dtype=jnp.float32, minval=-b_bound, maxval=b_bound)
    return {"relation": relation, "mlp_weight": mlp_weight, "mlp_bias": mlp_bias}


def reference(relation, mlp_weight, mlp_bias):
    w = jnp.take(mlp_weight, relation, axis=0)
    b = jnp.take(mlp_bias, relation, axis=0)
    return (w, b)

if __name__ == "__main__":
    import jax
    _d = setup_inputs()
    print(jax.jit(kernel)(*tuple(_d.values())))

</pallas_src>

<mosaic_0001>
#map = affine_map<(d0, d1) -> (0, 0, 0)>
module attributes {stable_mosaic.version = 14 : i64} {
  func.func @_weight_body(%arg0: i32, %arg1: i32, %arg2: memref<32x11x8xi32, #tpu.memory_space<hbm>>, %arg3: memref<1000x128x128xf32, #tpu.memory_space<hbm>>, %arg4: memref<1024x128x128xf32, #tpu.memory_space<hbm>>, %arg5: memref<11x8xi32, #tpu.memory_space<vmem>>, %arg6: memref<3x128x128xf32, #tpu.memory_space<vmem>>, %arg7: memref<3x128x128xf32, #tpu.memory_space<vmem>>, %arg8: memref<!tpu.dma_semaphore, #tpu.memory_space<semaphore_mem>>, %arg9: memref<!tpu.dma_semaphore, #tpu.memory_space<semaphore_mem>>, %arg10: memref<!tpu.dma_semaphore, #tpu.memory_space<semaphore_mem>>, %arg11: memref<!tpu.dma_semaphore, #tpu.memory_space<semaphore_mem>>) attributes {dimension_semantics = [#tpu.dimension_semantics<core_parallel>, #tpu.dimension_semantics<subcore_parallel>], iteration_bounds = array<i64: 2, 16>, scalar_prefetch = 0 : i64, scratch_operands = 7 : i64, tpu.core_type = #tpu.core_type<sc_vector_subcore>, window_params = [{transform_indices = #map}, {transform_indices = #map}, {transform_indices = #map}]} {
    %mul3A = arith.constant 2 : i32
    %mul3A_0 = arith.muli %arg1, %mul3A : i32
    %add3A = arith.addi %mul3A_0, %arg0 : i32
    %mul3A_1 = arith.constant 32 : i32
    %mul3A_2 = arith.muli %add3A, %mul3A_1 : i32
    "tpu.region"() ({
      %run_scoped3A = tpu.sem_alloc : memref<!tpu.dma_semaphore, #tpu.memory_space<semaphore_mem>>
      %dma_start3A_595 = arith.constant 0 : i32
      %dma_start3A_596 = arith.constant 0 : i32
      %dma_start3A_597 = tpu.memref_slice %arg2[%add3A, %dma_start3A_595, %dma_start3A_596] : memref<32x11x8xi32, #tpu.memory_space<hbm>> -> memref<1x11x8xi32, #tpu.memory_space<hbm>>
      %dma_start3A_598 = tpu.memref_squeeze %dma_start3A_597 : memref<1x11x8xi32, #tpu.memory_space<hbm>> -> memref<11x8xi32, #tpu.memory_space<hbm>>
      %dma_start3A_599 = arith.constant 0 : i32
      %dma_start3A_600 = arith.constant 0 : i32
      %dma_start3A_601 = tpu.memref_slice %arg2[%add3A, %dma_start3A_599, %dma_start3A_600] : memref<32x11x8xi32, #tpu.memory_space<hbm>> -> memref<1x11x8xi32, #tpu.memory_space<hbm>>
      %dma_start3A_602 = tpu.memref_squeeze %dma_start3A_601 : memref<1x11x8xi32, #tpu.memory_space<hbm>> -> memref<11x8xi32, #tpu.memory_space<hbm>>
      tpu.enqueue_dma source(%dma_start3A_602 : memref<11x8xi32, #tpu.memory_space<hbm>>) target(%arg5 : memref<11x8xi32, #tpu.memory_space<vmem>>) target_semaphore(%run_scoped3A : memref<!tpu.dma_semaphore, #tpu.memory_space<semaphore_mem>>)
      %dma_wait3A_603 = arith.constant 0 : i32
      %dma_wait3A_604 = arith.constant 0 : i32
      %dma_wait3A_605 = tpu.memref_slice %arg2[%add3A, %dma_wait3A_603, %dma_wait3A_604] : memref<32x11x8xi32, #tpu.memory_space<hbm>> -> memref<1x11x8xi32, #tpu.memory_space<hbm>>
      %dma_wait3A_606 = tpu.memref_squeeze %dma_wait3A_605 : memref<1x11x8xi32, #tpu.memory_space<hbm>> -> memref<11x8xi32, #tpu.memory_space<hbm>>
      %dma_wait3A_607 = arith.constant 0 : i32
      %dma_wait3A_608 = arith.constant 0 : i32
      %dma_wait3A_609 = tpu.memref_slice %arg2[%add3A, %dma_wait3A_607, %dma_wait3A_608] : memref<32x11x8xi32, #tpu.memory_space<hbm>> -> memref<1x11x8xi32, #tpu.memory_space<hbm>>
      %dma_wait3A_610 = tpu.memref_squeeze %dma_wait3A_609 : memref<1x11x8xi32, #tpu.memory_space<hbm>> -> memref<11x8xi32, #tpu.memory_space<hbm>>
      tpu.wait_dma2 semaphore(%run_scoped3A : memref<!tpu.dma_semaphore, #tpu.memory_space<semaphore_mem>>) src(%dma_wait3A_610 : memref<11x8xi32, #tpu.memory_space<hbm>>) dst(%arg5 : memref<11x8xi32, #tpu.memory_space<vmem>>)
      tpu.yield
    }) : () -> ()
    %dma_start3A = arith.constant 0 : i32
    %dma_start3A_3 = arith.constant 0 : i32
    %dma_start3A_4 = arith.constant 0 : i32
    %dma_start3A_5 = arith.constant 0 : i32
    %dma_start3A_6 = tpu.memref_slice %arg6[%dma_start3A_3, %dma_start3A_4, %dma_start3A_5] : memref<3x128x128xf32, #tpu.memory_space<vmem>> -> memref<3x128x128xf32, #tpu.memory_space<vmem>>
    %dma_start3A_7 = arith.constant 0 : i32
    %dma_start3A_8 = tpu.memref_slice %arg5[%dma_start3A, %dma_start3A_7] : memref<11x8xi32, #tpu.memory_space<vmem>> -> memref<1x3xi32, #tpu.memory_space<vmem>>
    %dma_start3A_9 = tpu.memref_squeeze %dma_start3A_8 : memref<1x3xi32, #tpu.memory_space<vmem>> -> memref<3xi32, #tpu.memory_space<vmem>>
    %dma_start3A_10 = arith.constant 0 : i32
    %dma_start3A_11 = arith.constant 0 : i32
    %dma_start3A_12 = arith.constant 0 : i32
    %dma_start3A_13 = tpu.memref_slice %arg3[%dma_start3A_10, %dma_start3A_11, %dma_start3A_12] : memref<1000x128x128xf32, #tpu.memory_space<hbm>> -> memref<1000x128x128xf32, #tpu.memory_space<hbm>>
    tpu.enqueue_indirect_dma source(%dma_start3A_13 : memref<1000x128x128xf32, #tpu.memory_space<hbm>>) target(%dma_start3A_6 : memref<3x128x128xf32, #tpu.memory_space<vmem>>) offsets(%dma_start3A_9 : memref<3xi32, #tpu.memory_space<vmem>>) semaphore(%arg8 : memref<!tpu.dma_semaphore, #tpu.memory_space<semaphore_mem>>)
    %dma_start3A_14 = arith.constant 1 : i32
    %dma_start3A_15 = arith.constant 0 : i32
    %dma_start3A_16 = arith.constant 0 : i32
    %dma_start3A_17 = arith.constant 0 : i32
    %dma_start3A_18 = tpu.memref_slice %arg7[%dma_start3A_15, %dma_start3A_16, %dma_start3A_17] : memref<3x128x128xf32, #tpu.memory_space<vmem>> -> memref<3x128x128xf32, #tpu.memory_space<vmem>>
    %dma_start3A_19 = arith.constant 0 : i32
    %dma_start3A_20 = tpu.memref_slice %arg5[%dma_start3A_14, %dma_start3A_19] : memref<11x8xi32, #tpu.memory_space<vmem>> -> memref<1x3xi32, #tpu.memory_space<vmem>>
    %dma_start3A_21 = tpu.memref_squeeze %dma_start3A_20 : memref<1x3xi32, #tpu.memory_space<vmem>> -> memref<3xi32, #tpu.memory_space<vmem>>
    %dma_start3A_22 = arith.constant 0 : i32
    %dma_start3A_23 = arith.constant 0 : i32
    %dma_start3A_24 = arith.constant 0 : i32
    %dma_start3A_25 = tpu.memref_slice %arg3[%dma_start3A_22, %dma_start3A_23, %dma_start3A_24] : memref<1000x128x128xf32, #tpu.memory_space<hbm>> -> memref<1000x128x128xf32, #tpu.memory_space<hbm>>
    tpu.enqueue_indirect_dma source(%dma_start3A_25 : memref<1000x128x128xf32, #tpu.memory_space<hbm>>) target(%dma_start3A_18 : memref<3x128x128xf32, #tpu.memory_space<vmem>>) offsets(%dma_start3A_21 : memref<3xi32, #tpu.memory_space<vmem>>) semaphore(%arg9 : memref<!tpu.dma_semaphore, #tpu.memory_space<semaphore_mem>>)
    %dma_wait3A = arith.constant 0 : i32
    %dma_wait3A_26 = arith.constant 0 : i32
    %dma_wait3A_27 = arith.constant 0 : i32
    %dma_wait3A_28 = arith.constant 0 : i32
    %dma_wait3A_29 = tpu.memref_slice %arg6[%dma_wait3A_26, %dma_wait3A_27, %dma_wait3A_28] : memref<3x128x128xf32, #tpu.memory_space<vmem>> -> memref<3x128x128xf32, #tpu.memory_space<vmem>>
    %dma_wait3A_30 = arith.constant 0 : i32
    %dma_wait3A_31 = tpu.memref_slice %arg5[%dma_wait3A, %dma_wait3A_30] : memref<11x8xi32, #tpu.memory_space<vmem>> -> memref<1x3xi32, #tpu.memory_space<vmem>>
    %dma_wait3A_32 = tpu.memref_squeeze %dma_wait3A_31 : memref<1x3xi32, #tpu.memory_space<vmem>> -> memref<3xi32, #tpu.memory_space<vmem>>
    %dma_wait3A_33 = arith.constant 0 : i32
    %dma_wait3A_34 = arith.constant 0 : i32
    %dma_wait3A_35 = arith.constant 0 : i32
    %dma_wait3A_36 = tpu.memref_slice %arg3[%dma_wait3A_33, %dma_wait3A_34, %dma_wait3A_35] : memref<1000x128x128xf32, #tpu.memory_space<hbm>> -> memref<1000x128x128xf32, #tpu.memory_space<hbm>>
    tpu.wait_indirect_dma semaphore(%arg8 : memref<!tpu.dma_semaphore, #tpu.memory_space<semaphore_mem>>) src(%dma_wait3A_36 : memref<1000x128x128xf32, #tpu.memory_space<hbm>>) dst(%dma_wait3A_29 : memref<3x128x128xf32, #tpu.memory_space<vmem>>)
    %add3A_37 = arith.constant 0 : i32
    %add3A_38 = arith.addi %mul3A_2, %add3A_37 : i32
    %dma_start3A_39 = arith.constant 0 : i32
    %dma_start3A_40 = arith.constant 0 : i32
    %dma_start3A_41 = arith.constant 0 : i32
    %dma_start3A_42 = tpu.memref_slice %arg6[%dma_start3A_39, %dma_start3A_40, %dma_start3A_41] : memref<3x128x128xf32, #tpu.memory_space<vmem>> -> memref<3x128x128xf32, #tpu.memory_space<vmem>>
    %dma_start3A_43 = arith.constant 0 : i32
    %dma_start3A_44 = arith.constant 0 : i32
    %dma_start3A_45 = tpu.memref_slice %arg4[%add3A_38, %dma_start3A_43, %dma_start3A_44] : memref<1024x128x128xf32, #tpu.memory_space<hbm>> -> memref<3x128x128xf32, #tpu.memory_space<hbm>>
    %dma_start3A_46 = arith.constant 0 : i32
    %dma_start3A_47 = arith.constant 0 : i32
    %dma_start3A_48 = tpu.memref_slice %arg4[%add3A_38, %dma_start3A_46, %dma_start3A_47] : memref<1024x128x128xf32, #tpu.memory_space<hbm>> -> memref<3x128x128xf32, #tpu.memory_space<hbm>>
    %dma_start3A_49 = arith.constant 0 : i32
    %dma_start3A_50 = arith.constant 0 : i32
    %dma_start3A_51 = arith.constant 0 : i32
    %dma_start3A_52 = tpu.memref_slice %arg6[%dma_start3A_49, %dma_start3A_50, %dma_start3A_51] : memref<3x128x128xf32, #tpu.memory_space<vmem>> -> memref<3x128x128xf32, #tpu.memory_space<vmem>>
    tpu.enqueue_dma source(%dma_start3A_52 : memref<3x128x128xf32, #tpu.memory_space<vmem>>) target(%dma_start3A_48 : memref<3x128x128xf32, #tpu.memory_space<hbm>>) target_semaphore(%arg10 : memref<!tpu.dma_semaphore, #tpu.memory_space<semaphore_mem>>)
    %dma_wait3A_53 = arith.constant 0 : i32
    %dma_wait3A_54 = arith.constant 0 : i32
    %dma_wait3A_55 = arith.constant 0 : i32
    %dma_wait3A_56 = tpu.memref_slice %arg6[%dma_wait3A_53, %dma_wait3A_54, %dma_wait3A_55] : memref<3x128x128xf32, #tpu.memory_space<vmem>> -> memref<3x128x128xf32, #tpu.memory_space<vmem>>
    %dma_wait3A_57 = arith.constant 0 : i32
    %dma_wait3A_58 = arith.constant 0 : i32
    %dma_wait3A_59 = tpu.memref_slice %arg4[%add3A_38, %dma_wait3A_57, %dma_wait3A_58] : memref<1024x128x128xf32, #tpu.memory_space<hbm>> -> memref<3x128x128xf32, #tpu.memory_space<hbm>>
    %dma_wait3A_60 = arith.constant 0 : i32
    %dma_wait3A_61 = arith.constant 0 : i32
    %dma_wait3A_62 = tpu.memref_slice %arg4[%add3A_38, %dma_wait3A_60, %dma_wait3A_61] : memref<1024x128x128xf32, #tpu.memory_space<hbm>> -> memref<3x128x128xf32, #tpu.memory_space<hbm>>
    %dma_wait3A_63 = arith.constant 0 : i32
    %dma_wait3A_64 = arith.constant 0 : i32
    %dma_wait3A_65 = arith.constant 0 : i32
    %dma_wait3A_66 = tpu.memref_slice %arg6[%dma_wait3A_63, %dma_wait3A_64, %dma_wait3A_65] : memref<3x128x128xf32, #tpu.memory_space<vmem>> -> memref<3x128x128xf32, #tpu.memory_space<vmem>>
    tpu.wait_dma2 semaphore(%arg10 : memref<!tpu.dma_semaphore, #tpu.memory_space<semaphore_mem>>) src(%dma_wait3A_66 : memref<3x128x128xf32, #tpu.memory_space<vmem>>) dst(%dma_wait3A_62 : memref<3x128x128xf32, #tpu.memory_space<hbm>>)
    %dma_start3A_67 = arith.constant 2 : i32
    %dma_start3A_68 = arith.constant 0 : i32
    %dma_start3A_69 = arith.constant 0 : i32
    %dma_start3A_70 = arith.constant 0 : i32
    %dma_start3A_71 = tpu.memref_slice %arg6[%dma_start3A_68, %dma_start3A_69, %dma_start3A_70] : memref<3x128x128xf32, #tpu.memory_space<vmem>> -> memref<3x128x128xf32, #tpu.memory_space<vmem>>
    %dma_start3A_72 = arith.constant 0 : i32
    %dma_start3A_73 = tpu.memref_slice %arg5[%dma_start3A_67, %dma_start3A_72] : memref<11x8xi32, #tpu.memory_space<vmem>> -> memref<1x3xi32, #tpu.memory_space<vmem>>
    %dma_start3A_74 = tpu.memref_squeeze %dma_start3A_73 : memref<1x3xi32, #tpu.memory_space<vmem>> -> memref<3xi32, #tpu.memory_space<vmem>>
    %dma_start3A_75 = arith.constant 0 : i32
    %dma_start3A_76 = arith.constant 0 : i32
    %dma_start3A_77 = arith.constant 0 : i32
    %dma_start3A_78 = tpu.memref_slice %arg3[%dma_start3A_75, %dma_start3A_76, %dma_start3A_77] : memref<1000x128x128xf32, #tpu.memory_space<hbm>> -> memref<1000x128x128xf32, #tpu.memory_space<hbm>>
    tpu.enqueue_indirect_dma source(%dma_start3A_78 : memref<1000x128x128xf32, #tpu.memory_space<hbm>>) target(%dma_start3A_71 : memref<3x128x128xf32, #tpu.memory_space<vmem>>) offsets(%dma_start3A_74 : memref<3xi32, #tpu.memory_space<vmem>>) semaphore(%arg8 : memref<!tpu.dma_semaphore, #tpu.memory_space<semaphore_mem>>)
    %dma_wait3A_79 = arith.constant 1 : i32
    %dma_wait3A_80 = arith.constant 0 : i32
    %dma_wait3A_81 = arith.constant 0 : i32
    %dma_wait3A_82 = arith.constant 0 : i32
    %dma_wait3A_83 = tpu.memref_slice %arg7[%dma_wait3A_80, %dma_wait3A_81, %dma_wait3A_82] : memref<3x128x128xf32, #tpu.memory_space<vmem>> -> memref<3x128x128xf32, #tpu.memory_space<vmem>>
    %dma_wait3A_84 = arith.constant 0 : i32
    %dma_wait3A_85 = tpu.memref_slice %arg5[%dma_wait3A_79, %dma_wait3A_84] : memref<11x8xi32, #tpu.memory_space<vmem>> -> memref<1x3xi32, #tpu.memory_space<vmem>>
    %dma_wait3A_86 = tpu.memref_squeeze %dma_wait3A_85 : memref<1x3xi32, #tpu.memory_space<vmem>> -> memref<3xi32, #tpu.memory_space<vmem>>
    %dma_wait3A_87 = arith.constant 0 : i32
    %dma_wait3A_88 = arith.constant 0 : i32
    %dma_wait3A_89 = arith.constant 0 : i32
    %dma_wait3A_90 = tpu.memref_slice %arg3[%dma_wait3A_87, %dma_wait3A_88, %dma_wait3A_89] : memref<1000x128x128xf32, #tpu.memory_space<hbm>> -> memref<1000x128x128xf32, #tpu.memory_space<hbm>>
    tpu.wait_indirect_dma semaphore(%arg9 : memref<!tpu.dma_semaphore, #tpu.memory_space<semaphore_mem>>) src(%dma_wait3A_90 : memref<1000x128x128xf32, #tpu.memory_space<hbm>>) dst(%dma_wait3A_83 : memref<3x128x128xf32, #tpu.memory_space<vmem>>)
    %add3A_91 = arith.constant 3 : i32
    %add3A_92 = arith.addi %mul3A_2, %add3A_91 : i32
    %dma_start3A_93 = arith.constant 0 : i32
    %dma_start3A_94 = arith.constant 0 : i32
    %dma_start3A_95 = arith.constant 0 : i32
    %dma_start3A_96 = tpu.memref_slice %arg7[%dma_start3A_93, %dma_start3A_94, %dma_start3A_95] : memref<3x128x128xf32, #tpu.memory_space<vmem>> -> memref<3x128x128xf32, #tpu.memory_space<vmem>>
    %dma_start3A_97 = arith.constant 0 : i32
    %dma_start3A_98 = arith.constant 0 : i32
    %dma_start3A_99 = tpu.memref_slice %arg4[%add3A_92, %dma_start3A_97, %dma_start3A_98] : memref<1024x128x128xf32, #tpu.memory_space<hbm>> -> memref<3x128x128xf32, #tpu.memory_space<hbm>>
    %dma_start3A_100 = arith.constant 0 : i32
    %dma_start3A_101 = arith.constant 0 : i32
    %dma_start3A_102 = tpu.memref_slice %arg4[%add3A_92, %dma_start3A_100, %dma_start3A_101] : memref<1024x128x128xf32, #tpu.memory_space<hbm>> -> memref<3x128x128xf32, #tpu.memory_space<hbm>>
    %dma_start3A_103 = arith.constant 0 : i32
    %dma_start3A_104 = arith.constant 0 : i32
    %dma_start3A_105 = arith.constant 0 : i32
    %dma_start3A_106 = tpu.memref_slice %arg7[%dma_start3A_103, %dma_start3A_104, %dma_start3A_105] : memref<3x128x128xf32, #tpu.memory_space<vmem>> -> memref<3x128x128xf32, #tpu.memory_space<vmem>>
    tpu.enqueue_dma source(%dma_start3A_106 : memref<3x128x128xf32, #tpu.memory_space<vmem>>) target(%dma_start3A_102 : memref<3x128x128xf32, #tpu.memory_space<hbm>>) target_semaphore(%arg11 : memref<!tpu.dma_semaphore, #tpu.memory_space<semaphore_mem>>)
    %dma_wait3A_107 = arith.constant 0 : i32
    %dma_wait3A_108 = arith.constant 0 : i32
    %dma_wait3A_109 = arith.constant 0 : i32
    %dma_wait3A_110 = tpu.memref_slice %arg7[%dma_wait3A_107, %dma_wait3A_108, %dma_wait3A_109] : memref<3x128x128xf32, #tpu.memory_space<vmem>> -> memref<3x128x128xf32, #tpu.memory_space<vmem>>
    %dma_wait3A_111 = arith.constant 0 : i32
    %dma_wait3A_112 = arith.constant 0 : i32
    %dma_wait3A_113 = tpu.memref_slice %arg4[%add3A_92, %dma_wait3A_111, %dma_wait3A_112] : memref<1024x128x128xf32, #tpu.memory_space<hbm>> -> memref<3x128x128xf32, #tpu.memory_space<hbm>>
    %dma_wait3A_114 = arith.constant 0 : i32
    %dma_wait3A_115 = arith.constant 0 : i32
    %dma_wait3A_116 = tpu.memref_slice %arg4[%add3A_92, %dma_wait3A_114, %dma_wait3A_115] : memref<1024x128x128xf32, #tpu.memory_space<hbm>> -> memref<3x128x128xf32, #tpu.memory_space<hbm>>
    %dma_wait3A_117 = arith.constant 0 : i32
    %dma_wait3A_118 = arith.constant 0 : i32
    %dma_wait3A_119 = arith.constant 0 : i32
    %dma_wait3A_120 = tpu.memref_slice %arg7[%dma_wait3A_117, %dma_wait3A_118, %dma_wait3A_119] : memref<3x128x128xf32, #tpu.memory_space<vmem>> -> memref<3x128x128xf32, #tpu.memory_space<vmem>>
    tpu.wait_dma2 semaphore(%arg11 : memref<!tpu.dma_semaphore, #tpu.memory_space<semaphore_mem>>) src(%dma_wait3A_120 : memref<3x128x128xf32, #tpu.memory_space<vmem>>) dst(%dma_wait3A_116 : memref<3x128x128xf32, #tpu.memory_space<hbm>>)
    %dma_start3A_121 = arith.constant 3 : i32
    %dma_start3A_122 = arith.constant 0 : i32
    %dma_start3A_123 = arith.constant 0 : i32
    %dma_start3A_124 = arith.constant 0 : i32
    %dma_start3A_125 = tpu.memref_slice %arg7[%dma_start3A_122, %dma_start3A_123, %dma_start3A_124] : memref<3x128x128xf32, #tpu.memory_space<vmem>> -> memref<3x128x128xf32, #tpu.memory_space<vmem>>
    %dma_start3A_126 = arith.constant 0 : i32
    %dma_start3A_127 = tpu.memref_slice %arg5[%dma_start3A_121, %dma_start3A_126] : memref<11x8xi32, #tpu.memory_space<vmem>> -> memref<1x3xi32, #tpu.memory_space<vmem>>
    %dma_start3A_128 = tpu.memref_squeeze %dma_start3A_127 : memref<1x3xi32, #tpu.memory_space<vmem>> -> memref<3xi32, #tpu.memory_space<vmem>>
    %dma_start3A_129 = arith.constant 0 : i32
    %dma_start3A_130 = arith.constant 0 : i32
    %dma_start3A_131 = arith.constant 0 : i32
    %dma_start3A_132 = tpu.memref_slice %arg3[%dma_start3A_129, %dma_start3A_130, %dma_start3A_131] : memref<1000x128x128xf32, #tpu.memory_space<hbm>> -> memref<1000x128x128xf32, #tpu.memory_space<hbm>>
    tpu.enqueue_indirect_dma source(%dma_start3A_132 : memref<1000x128x128xf32, #tpu.memory_space<hbm>>) target(%dma_start3A_125 : memref<3x128x128xf32, #tpu.memory_space<vmem>>) offsets(%dma_start3A_128 : memref<3xi32, #tpu.memory_space<vmem>>) semaphore(%arg9 : memref<!tpu.dma_semaphore, #tpu.memory_space<semaphore_mem>>)
    %dma_wait3A_133 = arith.constant 2 : i32
    %dma_wait3A_134 = arith.constant 0 : i32
    %dma_wait3A_135 = arith.constant 0 : i32
    %dma_wait3A_136 = arith.constant 0 : i32
    %dma_wait3A_137 = tpu.memref_slice %arg6[%dma_wait3A_134, %dma_wait3A_135, %dma_wait3A_136] : memref<3x128x128xf32, #tpu.memory_space<vmem>> -> memref<3x128x128xf32, #tpu.memory_space<vmem>>
    %dma_wait3A_138 = arith.constant 0 : i32
    %dma_wait3A_139 = tpu.memref_slice %arg5[%dma_wait3A_133, %dma_wait3A_138] : memref<11x8xi32, #tpu.memory_space<vmem>> -> memref<1x3xi32, #tpu.memory_space<vmem>>
    %dma_wait3A_140 = tpu.memref_squeeze %dma_wait3A_139 : memref<1x3xi32, #tpu.memory_space<vmem>> -> memref<3xi32, #tpu.memory_space<vmem>>
    %dma_wait3A_141 = arith.constant 0 : i32
    %dma_wait3A_142 = arith.constant 0 : i32
    %dma_wait3A_143 = arith.constant 0 : i32
    %dma_wait3A_144 = tpu.memref_slice %arg3[%dma_wait3A_141, %dma_wait3A_142, %dma_wait3A_143] : memref<1000x128x128xf32, #tpu.memory_space<hbm>> -> memref<1000x128x128xf32, #tpu.memory_space<hbm>>
    tpu.wait_indirect_dma semaphore(%arg8 : memref<!tpu.dma_semaphore, #tpu.memory_space<semaphore_mem>>) src(%dma_wait3A_144 : memref<1000x128x128xf32, #tpu.memory_space<hbm>>) dst(%dma_wait3A_137 : memref<3x128x128xf32, #tpu.memory_space<vmem>>)
    %add3A_145 = arith.constant 6 : i32
    %add3A_146 = arith.addi %mul3A_2, %add3A_145 : i32
    %dma_start3A_147 = arith.constant 0 : i32
    %dma_start3A_148 = arith.constant 0 : i32
    %dma_start3A_149 = arith.constant 0 : i32
    %dma_start3A_150 = tpu.memref_slice %arg6[%dma_start3A_147, %dma_start3A_148, %dma_start3A_149] : memref<3x128x128xf32, #tpu.memory_space<vmem>> -> memref<3x128x128xf32, #tpu.memory_space<vmem>>
    %dma_start3A_151 = arith.constant 0 : i32
    %dma_start3A_152 = arith.constant 0 : i32
    %dma_start3A_153 = tpu.memref_slice %arg4[%add3A_146, %dma_start3A_151, %dma_start3A_152] : memref<1024x128x128xf32, #tpu.memory_space<hbm>> -> memref<3x128x128xf32, #tpu.memory_space<hbm>>
    %dma_start3A_154 = arith.constant 0 : i32
    %dma_start3A_155 = arith.constant 0 : i32
    %dma_start3A_156 = tpu.memref_slice %arg4[%add3A_146, %dma_start3A_154, %dma_start3A_155] : memref<1024x128x128xf32, #tpu.memory_space<hbm>> -> memref<3x128x128xf32, #tpu.memory_space<hbm>>
    %dma_start3A_157 = arith.constant 0 : i32
    %dma_start3A_158 = arith.constant 0 : i32
    %dma_start3A_159 = arith.constant 0 : i32
    %dma_start3A_160 = tpu.memref_slice %arg6[%dma_start3A_157, %dma_start3A_158, %dma_start3A_159] : memref<3x128x128xf32, #tpu.memory_space<vmem>> -> memref<3x128x128xf32, #tpu.memory_space<vmem>>
    tpu.enqueue_dma source(%dma_start3A_160 : memref<3x128x128xf32, #tpu.memory_space<vmem>>) target(%dma_start3A_156 : memref<3x128x128xf32, #tpu.memory_space<hbm>>) target_semaphore(%arg10 : memref<!tpu.dma_semaphore, #tpu.memory_space<semaphore_mem>>)
    %dma_wait3A_161 = arith.constant 0 : i32
    %dma_wait3A_162 = arith.constant 0 : i32
    %dma_wait3A_163 = arith.constant 0 : i32
    %dma_wait3A_164 = tpu.memref_slice %arg6[%dma_wait3A_161, %dma_wait3A_162, %dma_wait3A_163] : memref<3x128x128xf32, #tpu.memory_space<vmem>> -> memref<3x128x128xf32, #tpu.memory_space<vmem>>
    %dma_wait3A_165 = arith.constant 0 : i32
    %dma_wait3A_166 = arith.constant 0 : i32
    %dma_wait3A_167 = tpu.memref_slice %arg4[%add3A_146, %dma_wait3A_165, %dma_wait3A_166] : memref<1024x128x128xf32, #tpu.memory_space<hbm>> -> memref<3x128x128xf32, #tpu.memory_space<hbm>>
    %dma_wait3A_168 = arith.constant 0 : i32
    %dma_wait3A_169 = arith.constant 0 : i32
    %dma_wait3A_170 = tpu.memref_slice %arg4[%add3A_146, %dma_wait3A_168, %dma_wait3A_169] : memref<1024x128x128xf32, #tpu.memory_space<hbm>> -> memref<3x128x128xf32, #tpu.memory_space<hbm>>
    %dma_wait3A_171 = arith.constant 0 : i32
    %dma_wait3A_172 = arith.constant 0 : i32
    %dma_wait3A_173 = arith.constant 0 : i32
    %dma_wait3A_174 = tpu.memref_slice %arg6[%dma_wait3A_171, %dma_wait3A_172, %dma_wait3A_173] : memref<3x128x128xf32, #tpu.memory_space<vmem>> -> memref<3x128x128xf32, #tpu.memory_space<vmem>>
    tpu.wait_dma2 semaphore(%arg10 : memref<!tpu.dma_semaphore, #tpu.memory_space<semaphore_mem>>) src(%dma_wait3A_174 : memref<3x128x128xf32, #tpu.memory_space<vmem>>) dst(%dma_wait3A_170 : memref<3x128x128xf32, #tpu.memory_space<hbm>>)
    %dma_start3A_175 = arith.constant 4 : i32
    %dma_start3A_176 = arith.constant 0 : i32
    %dma_start3A_177 = arith.constant 0 : i32
    %dma_start3A_178 = arith.constant 0 : i32
    %dma_start3A_179 = tpu.memref_slice %arg6[%dma_start3A_176, %dma_start3A_177, %dma_start3A_178] : memref<3x128x128xf32, #tpu.memory_space<vmem>> -> memref<3x128x128xf32, #tpu.memory_space<vmem>>
    %dma_start3A_180 = arith.constant 0 : i32
    %dma_start3A_181 = tpu.memref_slice %arg5[%dma_start3A_175, %dma_start3A_180] : memref<11x8xi32, #tpu.memory_space<vmem>> -> memref<1x3xi32, #tpu.memory_space<vmem>>
    %dma_start3A_182 = tpu.memref_squeeze %dma_start3A_181 : memref<1x3xi32, #tpu.memory_space<vmem>> -> memref<3xi32, #tpu.memory_space<vmem>>
    %dma_start3A_183 = arith.constant 0 : i32
    %dma_start3A_184 = arith.constant 0 : i32
    %dma_start3A_185 = arith.constant 0 : i32
    %dma_start3A_186 = tpu.memref_slice %arg3[%dma_start3A_183, %dma_start3A_184, %dma_start3A_185] : memref<1000x128x128xf32, #tpu.memory_space<hbm>> -> memref<1000x128x128xf32, #tpu.memory_space<hbm>>
    tpu.enqueue_indirect_dma source(%dma_start3A_186 : memref<1000x128x128xf32, #tpu.memory_space<hbm>>) target(%dma_start3A_179 : memref<3x128x128xf32, #tpu.memory_space<vmem>>) offsets(%dma_start3A_182 : memref<3xi32, #tpu.memory_space<vmem>>) semaphore(%arg8 : memref<!tpu.dma_semaphore, #tpu.memory_space<semaphore_mem>>)
    %dma_wait3A_187 = arith.constant 3 : i32
    %dma_wait3A_188 = arith.constant 0 : i32
    %dma_wait3A_189 = arith.constant 0 : i32
    %dma_wait3A_190 = arith.constant 0 : i32
    %dma_wait3A_191 = tpu.memref_slice %arg7[%dma_wait3A_188, %dma_wait3A_189, %dma_wait3A_190] : memref<3x128x128xf32, #tpu.memory_space<vmem>> -> memref<3x128x128xf32, #tpu.memory_space<vmem>>
    %dma_wait3A_192 = arith.constant 0 : i32
    %dma_wait3A_193 = tpu.memref_slice %arg5[%dma_wait3A_187, %dma_wait3A_192] : memref<11x8xi32, #tpu.memory_space<vmem>> -> memref<1x3xi32, #tpu.memory_space<vmem>>
    %dma_wait3A_194 = tpu.memref_squeeze %dma_wait3A_193 : memref<1x3xi32, #tpu.memory_space<vmem>> -> memref<3xi32, #tpu.memory_space<vmem>>
    %dma_wait3A_195 = arith.constant 0 : i32
    %dma_wait3A_196 = arith.constant 0 : i32
    %dma_wait3A_197 = arith.constant 0 : i32
    %dma_wait3A_198 = tpu.memref_slice %arg3[%dma_wait3A_195, %dma_wait3A_196, %dma_wait3A_197] : memref<1000x128x128xf32, #tpu.memory_space<hbm>> -> memref<1000x128x128xf32, #tpu.memory_space<hbm>>
    tpu.wait_indirect_dma semaphore(%arg9 : memref<!tpu.dma_semaphore, #tpu.memory_space<semaphore_mem>>) src(%dma_wait3A_198 : memref<1000x128x128xf32, #tpu.memory_space<hbm>>) dst(%dma_wait3A_191 : memref<3x128x128xf32, #tpu.memory_space<vmem>>)
    %add3A_199 = arith.constant 9 : i32
    %add3A_200 = arith.addi %mul3A_2, %add3A_199 : i32
    %dma_start3A_201 = arith.constant 0 : i32
    %dma_start3A_202 = arith.constant 0 : i32
    %dma_start3A_203 = arith.constant 0 : i32
    %dma_start3A_204 = tpu.memref_slice %arg7[%dma_start3A_201, %dma_start3A_202, %dma_start3A_203] : memref<3x128x128xf32, #tpu.memory_space<vmem>> -> memref<3x128x128xf32, #tpu.memory_space<vmem>>
    %dma_start3A_205 = arith.constant 0 : i32
    %dma_start3A_206 = arith.constant 0 : i32
    %dma_start3A_207 = tpu.memref_slice %arg4[%add3A_200, %dma_start3A_205, %dma_start3A_206] : memref<1024x128x128xf32, #tpu.memory_space<hbm>> -> memref<3x128x128xf32, #tpu.memory_space<hbm>>
    %dma_start3A_208 = arith.constant 0 : i32
    %dma_start3A_209 = arith.constant 0 : i32
    %dma_start3A_210 = tpu.memref_slice %arg4[%add3A_200, %dma_start3A_208, %dma_start3A_209] : memref<1024x128x128xf32, #tpu.memory_space<hbm>> -> memref<3x128x128xf32, #tpu.memory_space<hbm>>
    %dma_start3A_211 = arith.constant 0 : i32
    %dma_start3A_212 = arith.constant 0 : i32
    %dma_start3A_213 = arith.constant 0 : i32
    %dma_start3A_214 = tpu.memref_slice %arg7[%dma_start3A_211, %dma_start3A_212, %dma_start3A_213] : memref<3x128x128xf32, #tpu.memory_space<vmem>> -> memref<3x128x128xf32, #tpu.memory_space<vmem>>
    tpu.enqueue_dma source(%dma_start3A_214 : memref<3x128x128xf32, #tpu.memory_space<vmem>>) target(%dma_start3A_210 : memref<3x128x128xf32, #tpu.memory_space<hbm>>) target_semaphore(%arg11 : memref<!tpu.dma_semaphore, #tpu.memory_space<semaphore_mem>>)
    %dma_wait3A_215 = arith.constant 0 : i32
    %dma_wait3A_216 = arith.constant 0 : i32
    %dma_wait3A_217 = arith.constant 0 : i32
    %dma_wait3A_218 = tpu.memref_slice %arg7[%dma_wait3A_215, %dma_wait3A_216, %dma_wait3A_217] : memref<3x128x128xf32, #tpu.memory_space<vmem>> -> memref<3x128x128xf32, #tpu.memory_space<vmem>>
    %dma_wait3A_219 = arith.constant 0 : i32
    %dma_wait3A_220 = arith.constant 0 : i32
    %dma_wait3A_221 = tpu.memref_slice %arg4[%add3A_200, %dma_wait3A_219, %dma_wait3A_220] : memref<1024x128x128xf32, #tpu.memory_space<hbm>> -> memref<3x128x128xf32, #tpu.memory_space<hbm>>
    %dma_wait3A_222 = arith.constant 0 : i32
    %dma_wait3A_223 = arith.constant 0 : i32
    %dma_wait3A_224 = tpu.memref_slice %arg4[%add3A_200, %dma_wait3A_222, %dma_wait3A_223] : memref<1024x128x128xf32, #tpu.memory_space<hbm>> -> memref<3x128x128xf32, #tpu.memory_space<hbm>>
    %dma_wait3A_225 = arith.constant 0 : i32
    %dma_wait3A_226 = arith.constant 0 : i32
    %dma_wait3A_227 = arith.constant 0 : i32
    %dma_wait3A_228 = tpu.memref_slice %arg7[%dma_wait3A_225, %dma_wait3A_226, %dma_wait3A_227] : memref<3x128x128xf32, #tpu.memory_space<vmem>> -> memref<3x128x128xf32, #tpu.memory_space<vmem>>
    tpu.wait_dma2 semaphore(%arg11 : memref<!tpu.dma_semaphore, #tpu.memory_space<semaphore_mem>>) src(%dma_wait3A_228 : memref<3x128x128xf32, #tpu.memory_space<vmem>>) dst(%dma_wait3A_224 : memref<3x128x128xf32, #tpu.memory_space<hbm>>)
    %dma_start3A_229 = arith.constant 5 : i32
    %dma_start3A_230 = arith.constant 0 : i32
    %dma_start3A_231 = arith.constant 0 : i32
    %dma_start3A_232 = arith.constant 0 : i32
    %dma_start3A_233 = tpu.memref_slice %arg7[%dma_start3A_230, %dma_start3A_231, %dma_start3A_232] : memref<3x128x128xf32, #tpu.memory_space<vmem>> -> memref<3x128x128xf32, #tpu.memory_space<vmem>>
    %dma_start3A_234 = arith.constant 0 : i32
    %dma_start3A_235 = tpu.memref_slice %arg5[%dma_start3A_229, %dma_start3A_234] : memref<11x8xi32, #tpu.memory_space<vmem>> -> memref<1x3xi32, #tpu.memory_space<vmem>>
    %dma_start3A_236 = tpu.memref_squeeze %dma_start3A_235 : memref<1x3xi32, #tpu.memory_space<vmem>> -> memref<3xi32, #tpu.memory_space<vmem>>
    %dma_start3A_237 = arith.constant 0 : i32
    %dma_start3A_238 = arith.constant 0 : i32
    %dma_start3A_239 = arith.constant 0 : i32
    %dma_start3A_240 = tpu.memref_slice %arg3[%dma_start3A_237, %dma_start3A_238, %dma_start3A_239] : memref<1000x128x128xf32, #tpu.memory_space<hbm>> -> memref<1000x128x128xf32, #tpu.memory_space<hbm>>
    tpu.enqueue_indirect_dma source(%dma_start3A_240 : memref<1000x128x128xf32, #tpu.memory_space<hbm>>) target(%dma_start3A_233 : memref<3x128x128xf32, #tpu.memory_space<vmem>>) offsets(%dma_start3A_236 : memref<3xi32, #tpu.memory_space<vmem>>) semaphore(%arg9 : memref<!tpu.dma_semaphore, #tpu.memory_space<semaphore_mem>>)
    %dma_wait3A_241 = arith.constant 4 : i32
    %dma_wait3A_242 = arith.constant 0 : i32
    %dma_wait3A_243 = arith.constant 0 : i32
    %dma_wait3A_244 = arith.constant 0 : i32
    %dma_wait3A_245 = tpu.memref_slice %arg6[%dma_wait3A_242, %dma_wait3A_243, %dma_wait3A_244] : memref<3x128x128xf32, #tpu.memory_space<vmem>> -> memref<3x128x128xf32, #tpu.memory_space<vmem>>
    %dma_wait3A_246 = arith.constant 0 : i32
    %dma_wait3A_247 = tpu.memref_slice %arg5[%dma_wait3A_241, %dma_wait3A_246] : memref<11x8xi32, #tpu.memory_space<vmem>> -> memref<1x3xi32, #tpu.memory_space<vmem>>
    %dma_wait3A_248 = tpu.memref_squeeze %dma_wait3A_247 : memref<1x3xi32, #tpu.memory_space<vmem>> -> memref<3xi32, #tpu.memory_space<vmem>>
    %dma_wait3A_249 = arith.constant 0 : i32
    %dma_wait3A_250 = arith.constant 0 : i32
    %dma_wait3A_251 = arith.constant 0 : i32
    %dma_wait3A_252 = tpu.memref_slice %arg3[%dma_wait3A_249, %dma_wait3A_250, %dma_wait3A_251] : memref<1000x128x128xf32, #tpu.memory_space<hbm>> -> memref<1000x128x128xf32, #tpu.memory_space<hbm>>
    tpu.wait_indirect_dma semaphore(%arg8 : memref<!tpu.dma_semaphore, #tpu.memory_space<semaphore_mem>>) src(%dma_wait3A_252 : memref<1000x128x128xf32, #tpu.memory_space<hbm>>) dst(%dma_wait3A_245 : memref<3x128x128xf32, #tpu.memory_space<vmem>>)
    %add3A_253 = arith.constant 12 : i32
    %add3A_254 = arith.addi %mul3A_2, %add3A_253 : i32
    %dma_start3A_255 = arith.constant 0 : i32
    %dma_start3A_256 = arith.constant 0 : i32
    %dma_start3A_257 = arith.constant 0 : i32
    %dma_start3A_258 = tpu.memref_slice %arg6[%dma_start3A_255, %dma_start3A_256, %dma_start3A_257] : memref<3x128x128xf32, #tpu.memory_space<vmem>> -> memref<3x128x128xf32, #tpu.memory_space<vmem>>
    %dma_start3A_259 = arith.constant 0 : i32
    %dma_start3A_260 = arith.constant 0 : i32
    %dma_start3A_261 = tpu.memref_slice %arg4[%add3A_254, %dma_start3A_259, %dma_start3A_260] : memref<1024x128x128xf32, #tpu.memory_space<hbm>> -> memref<3x128x128xf32, #tpu.memory_space<hbm>>
    %dma_start3A_262 = arith.constant 0 : i32
    %dma_start3A_263 = arith.constant 0 : i32
    %dma_start3A_264 = tpu.memref_slice %arg4[%add3A_254, %dma_start3A_262, %dma_start3A_263] : memref<1024x128x128xf32, #tpu.memory_space<hbm>> -> memref<3x128x128xf32, #tpu.memory_space<hbm>>
    %dma_start3A_265 = arith.constant 0 : i32
    %dma_start3A_266 = arith.constant 0 : i32
    %dma_start3A_267 = arith.constant 0 : i32
    %dma_start3A_268 = tpu.memref_slice %arg6[%dma_start3A_265, %dma_start3A_266, %dma_start3A_267] : memref<3x128x128xf32, #tpu.memory_space<vmem>> -> memref<3x128x128xf32, #tpu.memory_space<vmem>>
    tpu.enqueue_dma source(%dma_start3A_268 : memref<3x128x128xf32, #tpu.memory_space<vmem>>) target(%dma_start3A_264 : memref<3x128x128xf32, #tpu.memory_space<hbm>>) target_semaphore(%arg10 : memref<!tpu.dma_semaphore, #tpu.memory_space<semaphore_mem>>)
    %dma_wait3A_269 = arith.constant 0 : i32
    %dma_wait3A_270 = arith.constant 0 : i32
    %dma_wait3A_271 = arith.constant 0 : i32
    %dma_wait3A_272 = tpu.memref_slice %arg6[%dma_wait3A_269, %dma_wait3A_270, %dma_wait3A_271] : memref<3x128x128xf32, #tpu.memory_space<vmem>> -> memref<3x128x128xf32, #tpu.memory_space<vmem>>
    %dma_wait3A_273 = arith.constant 0 : i32
    %dma_wait3A_274 = arith.constant 0 : i32
    %dma_wait3A_275 = tpu.memref_slice %arg4[%add3A_254, %dma_wait3A_273, %dma_wait3A_274] : memref<1024x128x128xf32, #tpu.memory_space<hbm>> -> memref<3x128x128xf32, #tpu.memory_space<hbm>>
    %dma_wait3A_276 = arith.constant 0 : i32
    %dma_wait3A_277 = arith.constant 0 : i32
    %dma_wait3A_278 = tpu.memref_slice %arg4[%add3A_254, %dma_wait3A_276, %dma_wait3A_277] : memref<1024x128x128xf32, #tpu.memory_space<hbm>> -> memref<3x128x128xf32, #tpu.memory_space<hbm>>
    %dma_wait3A_279 = arith.constant 0 : i32
    %dma_wait3A_280 = arith.constant 0 : i32
    %dma_wait3A_281 = arith.constant 0 : i32
    %dma_wait3A_282 = tpu.memref_slice %arg6[%dma_wait3A_279, %dma_wait3A_280, %dma_wait3A_281] : memref<3x128x128xf32, #tpu.memory_space<vmem>> -> memref<3x128x128xf32, #tpu.memory_space<vmem>>
    tpu.wait_dma2 semaphore(%arg10 : memref<!tpu.dma_semaphore, #tpu.memory_space<semaphore_mem>>) src(%dma_wait3A_282 : memref<3x128x128xf32, #tpu.memory_space<vmem>>) dst(%dma_wait3A_278 : memref<3x128x128xf32, #tpu.memory_space<hbm>>)
    %dma_start3A_283 = arith.constant 6 : i32
    %dma_start3A_284 = arith.constant 0 : i32
    %dma_start3A_285 = arith.constant 0 : i32
    %dma_start3A_286 = arith.constant 0 : i32
    %dma_start3A_287 = tpu.memref_slice %arg6[%dma_start3A_284, %dma_start3A_285, %dma_start3A_286] : memref<3x128x128xf32, #tpu.memory_space<vmem>> -> memref<3x128x128xf32, #tpu.memory_space<vmem>>
    %dma_start3A_288 = arith.constant 0 : i32
    %dma_start3A_289 = tpu.memref_slice %arg5[%dma_start3A_283, %dma_start3A_288] : memref<11x8xi32, #tpu.memory_space<vmem>> -> memref<1x3xi32, #tpu.memory_space<vmem>>
    %dma_start3A_290 = tpu.memref_squeeze %dma_start3A_289 : memref<1x3xi32, #tpu.memory_space<vmem>> -> memref<3xi32, #tpu.memory_space<vmem>>
    %dma_start3A_291 = arith.constant 0 : i32
    %dma_start3A_292 = arith.constant 0 : i32
    %dma_start3A_293 = arith.constant 0 : i32
    %dma_start3A_294 = tpu.memref_slice %arg3[%dma_start3A_291, %dma_start3A_292, %dma_start3A_293] : memref<1000x128x128xf32, #tpu.memory_space<hbm>> -> memref<1000x128x128xf32, #tpu.memory_space<hbm>>
    tpu.enqueue_indirect_dma source(%dma_start3A_294 : memref<1000x128x128xf32, #tpu.memory_space<hbm>>) target(%dma_start3A_287 : memref<3x128x128xf32, #tpu.memory_space<vmem>>) offsets(%dma_start3A_290 : memref<3xi32, #tpu.memory_space<vmem>>) semaphore(%arg8 : memref<!tpu.dma_semaphore, #tpu.memory_space<semaphore_mem>>)
    %dma_wait3A_295 = arith.constant 5 : i32
    %dma_wait3A_296 = arith.constant 0 : i32
    %dma_wait3A_297 = arith.constant 0 : i32
    %dma_wait3A_298 = arith.constant 0 : i32
    %dma_wait3A_299 = tpu.memref_slice %arg7[%dma_wait3A_296, %dma_wait3A_297, %dma_wait3A_298] : memref<3x128x128xf32, #tpu.memory_space<vmem>> -> memref<3x128x128xf32, #tpu.memory_space<vmem>>
    %dma_wait3A_300 = arith.constant 0 : i32
    %dma_wait3A_301 = tpu.memref_slice %arg5[%dma_wait3A_295, %dma_wait3A_300] : memref<11x8xi32, #tpu.memory_space<vmem>> -> memref<1x3xi32, #tpu.memory_space<vmem>>
    %dma_wait3A_302 = tpu.memref_squeeze %dma_wait3A_301 : memref<1x3xi32, #tpu.memory_space<vmem>> -> memref<3xi32, #tpu.memory_space<vmem>>
    %dma_wait3A_303 = arith.constant 0 : i32
    %dma_wait3A_304 = arith.constant 0 : i32
    %dma_wait3A_305 = arith.constant 0 : i32
    %dma_wait3A_306 = tpu.memref_slice %arg3[%dma_wait3A_303, %dma_wait3A_304, %dma_wait3A_305] : memref<1000x128x128xf32, #tpu.memory_space<hbm>> -> memref<1000x128x128xf32, #tpu.memory_space<hbm>>
    tpu.wait_indirect_dma semaphore(%arg9 : memref<!tpu.dma_semaphore, #tpu.memory_space<semaphore_mem>>) src(%dma_wait3A_306 : memref<1000x128x128xf32, #tpu.memory_space<hbm>>) dst(%dma_wait3A_299 : memref<3x128x128xf32, #tpu.memory_space<vmem>>)
    %add3A_307 = arith.constant 15 : i32
    %add3A_308 = arith.addi %mul3A_2, %add3A_307 : i32
    %dma_start3A_309 = arith.constant 0 : i32
    %dma_start3A_310 = arith.constant 0 : i32
    %dma_start3A_311 = arith.constant 0 : i32
    %dma_start3A_312 = tpu.memref_slice %arg7[%dma_start3A_309, %dma_start3A_310, %dma_start3A_311] : memref<3x128x128xf32, #tpu.memory_space<vmem>> -> memref<3x128x128xf32, #tpu.memory_space<vmem>>
    %dma_start3A_313 = arith.constant 0 : i32
    %dma_start3A_314 = arith.constant 0 : i32
    %dma_start3A_315 = tpu.memref_slice %arg4[%add3A_308, %dma_start3A_313, %dma_start3A_314] : memref<1024x128x128xf32, #tpu.memory_space<hbm>> -> memref<3x128x128xf32, #tpu.memory_space<hbm>>
    %dma_start3A_316 = arith.constant 0 : i32
    %dma_start3A_317 = arith.constant 0 : i32
    %dma_start3A_318 = tpu.memref_slice %arg4[%add3A_308, %dma_start3A_316, %dma_start3A_317] : memref<1024x128x128xf32, #tpu.memory_space<hbm>> -> memref<3x128x128xf32, #tpu.memory_space<hbm>>
    %dma_start3A_319 = arith.constant 0 : i32
    %dma_start3A_320 = arith.constant 0 : i32
    %dma_start3A_321 = arith.constant 0 : i32
    %dma_start3A_322 = tpu.memref_slice %arg7[%dma_start3A_319, %dma_start3A_320, %dma_start3A_321] : memref<3x128x128xf32, #tpu.memory_space<vmem>> -> memref<3x128x128xf32, #tpu.memory_space<vmem>>
    tpu.enqueue_dma source(%dma_start3A_322 : memref<3x128x128xf32, #tpu.memory_space<vmem>>) target(%dma_start3A_318 : memref<3x128x128xf32, #tpu.memory_space<hbm>>) target_semaphore(%arg11 : memref<!tpu.dma_semaphore, #tpu.memory_space<semaphore_mem>>)
    %dma_wait3A_323 = arith.constant 0 : i32
    %dma_wait3A_324 = arith.constant 0 : i32
    %dma_wait3A_325 = arith.constant 0 : i32
    %dma_wait3A_326 = tpu.memref_slice %arg7[%dma_wait3A_323, %dma_wait3A_324, %dma_wait3A_325] : memref<3x128x128xf32, #tpu.memory_space<vmem>> -> memref<3x128x128xf32, #tpu.memory_space<vmem>>
    %dma_wait3A_327 = arith.constant 0 : i32
    %dma_wait3A_328 = arith.constant 0 : i32
    %dma_wait3A_329 = tpu.memref_slice %arg4[%add3A_308, %dma_wait3A_327, %dma_wait3A_328] : memref<1024x128x128xf32, #tpu.memory_space<hbm>> -> memref<3x128x128xf32, #tpu.memory_space<hbm>>
    %dma_wait3A_330 = arith.constant 0 : i32
    %dma_wait3A_331 = arith.constant 0 : i32
    %dma_wait3A_332 = tpu.memref_slice %arg4[%add3A_308, %dma_wait3A_330, %dma_wait3A_331] : memref<1024x128x128xf32, #tpu.memory_space<hbm>> -> memref<3x128x128xf32, #tpu.memory_space<hbm>>
    %dma_wait3A_333 = arith.constant 0 : i32
    %dma_wait3A_334 = arith.constant 0 : i32
    %dma_wait3A_335 = arith.constant 0 : i32
    %dma_wait3A_336 = tpu.memref_slice %arg7[%dma_wait3A_333, %dma_wait3A_334, %dma_wait3A_335] : memref<3x128x128xf32, #tpu.memory_space<vmem>> -> memref<3x128x128xf32, #tpu.memory_space<vmem>>
    tpu.wait_dma2 semaphore(%arg11 : memref<!tpu.dma_semaphore, #tpu.memory_space<semaphore_mem>>) src(%dma_wait3A_336 : memref<3x128x128xf32, #tpu.memory_space<vmem>>) dst(%dma_wait3A_332 : memref<3x128x128xf32, #tpu.memory_space<hbm>>)
    %dma_start3A_337 = arith.constant 7 : i32
    %dma_start3A_338 = arith.constant 0 : i32
    %dma_start3A_339 = arith.constant 0 : i32
    %dma_start3A_340 = arith.constant 0 : i32
    %dma_start3A_341 = tpu.memref_slice %arg7[%dma_start3A_338, %dma_start3A_339, %dma_start3A_340] : memref<3x128x128xf32, #tpu.memory_space<vmem>> -> memref<3x128x128xf32, #tpu.memory_space<vmem>>
    %dma_start3A_342 = arith.constant 0 : i32
    %dma_start3A_343 = tpu.memref_slice %arg5[%dma_start3A_337, %dma_start3A_342] : memref<11x8xi32, #tpu.memory_space<vmem>> -> memref<1x3xi32, #tpu.memory_space<vmem>>
    %dma_start3A_344 = tpu.memref_squeeze %dma_start3A_343 : memref<1x3xi32, #tpu.memory_space<vmem>> -> memref<3xi32, #tpu.memory_space<vmem>>
    %dma_start3A_345 = arith.constant 0 : i32
    %dma_start3A_346 = arith.constant 0 : i32
    %dma_start3A_347 = arith.constant 0 : i32
    %dma_start3A_348 = tpu.memref_slice %arg3[%dma_start3A_345, %dma_start3A_346, %dma_start3A_347] : memref<1000x128x128xf32, #tpu.memory_space<hbm>> -> memref<1000x128x128xf32, #tpu.memory_space<hbm>>
    tpu.enqueue_indirect_dma source(%dma_start3A_348 : memref<1000x128x128xf32, #tpu.memory_space<hbm>>) target(%dma_start3A_341 : memref<3x128x128xf32, #tpu.memory_space<vmem>>) offsets(%dma_start3A_344 : memref<3xi32, #tpu.memory_space<vmem>>) semaphore(%arg9 : memref<!tpu.dma_semaphore, #tpu.memory_space<semaphore_mem>>)
    %dma_wait3A_349 = arith.constant 6 : i32
    %dma_wait3A_350 = arith.constant 0 : i32
    %dma_wait3A_351 = arith.constant 0 : i32
    %dma_wait3A_352 = arith.constant 0 : i32
    %dma_wait3A_353 = tpu.memref_slice %arg6[%dma_wait3A_350, %dma_wait3A_351, %dma_wait3A_352] : memref<3x128x128xf32, #tpu.memory_space<vmem>> -> memref<3x128x128xf32, #tpu.memory_space<vmem>>
    %dma_wait3A_354 = arith.constant 0 : i32
    %dma_wait3A_355 = tpu.memref_slice %arg5[%dma_wait3A_349, %dma_wait3A_354] : memref<11x8xi32, #tpu.memory_space<vmem>> -> memref<1x3xi32, #tpu.memory_space<vmem>>
    %dma_wait3A_356 = tpu.memref_squeeze %dma_wait3A_355 : memref<1x3xi32, #tpu.memory_space<vmem>> -> memref<3xi32, #tpu.memory_space<vmem>>
    %dma_wait3A_357 = arith.constant 0 : i32
    %dma_wait3A_358 = arith.constant 0 : i32
    %dma_wait3A_359 = arith.constant 0 : i32
    %dma_wait3A_360 = tpu.memref_slice %arg3[%dma_wait3A_357, %dma_wait3A_358, %dma_wait3A_359] : memref<1000x128x128xf32, #tpu.memory_space<hbm>> -> memref<1000x128x128xf32, #tpu.memory_space<hbm>>
    tpu.wait_indirect_dma semaphore(%arg8 : memref<!tpu.dma_semaphore, #tpu.memory_space<semaphore_mem>>) src(%dma_wait3A_360 : memref<1000x128x128xf32, #tpu.memory_space<hbm>>) dst(%dma_wait3A_353 : memref<3x128x128xf32, #tpu.memory_space<vmem>>)
    %add3A_361 = arith.constant 18 : i32
    %add3A_362 = arith.addi %mul3A_2, %add3A_361 : i32
    %dma_start3A_363 = arith.constant 0 : i32
    %dma_start3A_364 = arith.constant 0 : i32
    %dma_start3A_365 = arith.constant 0 : i32
    %dma_start3A_366 = tpu.memref_slice %arg6[%dma_start3A_363, %dma_start3A_364, %dma_start3A_365] : memref<3x128x128xf32, #tpu.memory_space<vmem>> -> memref<3x128x128xf32, #tpu.memory_space<vmem>>
    %dma_start3A_367 = arith.constant 0 : i32
    %dma_start3A_368 = arith.constant 0 : i32
    %dma_start3A_369 = tpu.memref_slice %arg4[%add3A_362, %dma_start3A_367, %dma_start3A_368] : memref<1024x128x128xf32, #tpu.memory_space<hbm>> -> memref<3x128x128xf32, #tpu.memory_space<hbm>>
    %dma_start3A_370 = arith.constant 0 : i32
    %dma_start3A_371 = arith.constant 0 : i32
    %dma_start3A_372 = tpu.memref_slice %arg4[%add3A_362, %dma_start3A_370, %dma_start3A_371] : memref<1024x128x128xf32, #tpu.memory_space<hbm>> -> memref<3x128x128xf32, #tpu.memory_space<hbm>>
    %dma_start3A_373 = arith.constant 0 : i32
    %dma_start3A_374 = arith.constant 0 : i32
    %dma_start3A_375 = arith.constant 0 : i32
    %dma_start3A_376 = tpu.memref_slice %arg6[%dma_start3A_373, %dma_start3A_374, %dma_start3A_375] : memref<3x128x128xf32, #tpu.memory_space<vmem>> -> memref<3x128x128xf32, #tpu.memory_space<vmem>>
    tpu.enqueue_dma source(%dma_start3A_376 : memref<3x128x128xf32, #tpu.memory_space<vmem>>) target(%dma_start3A_372 : memref<3x128x128xf32, #tpu.memory_space<hbm>>) target_semaphore(%arg10 : memref<!tpu.dma_semaphore, #tpu.memory_space<semaphore_mem>>)
    %dma_wait3A_377 = arith.constant 0 : i32
    %dma_wait3A_378 = arith.constant 0 : i32
    %dma_wait3A_379 = arith.constant 0 : i32
    %dma_wait3A_380 = tpu.memref_slice %arg6[%dma_wait3A_377, %dma_wait3A_378, %dma_wait3A_379] : memref<3x128x128xf32, #tpu.memory_space<vmem>> -> memref<3x128x128xf32, #tpu.memory_space<vmem>>
    %dma_wait3A_381 = arith.constant 0 : i32
    %dma_wait3A_382 = arith.constant 0 : i32
    %dma_wait3A_383 = tpu.memref_slice %arg4[%add3A_362, %dma_wait3A_381, %dma_wait3A_382] : memref<1024x128x128xf32, #tpu.memory_space<hbm>> -> memref<3x128x128xf32, #tpu.memory_space<hbm>>
    %dma_wait3A_384 = arith.constant 0 : i32
    %dma_wait3A_385 = arith.constant 0 : i32
    %dma_wait3A_386 = tpu.memref_slice %arg4[%add3A_362, %dma_wait3A_384, %dma_wait3A_385] : memref<1024x128x128xf32, #tpu.memory_space<hbm>> -> memref<3x128x128xf32, #tpu.memory_space<hbm>>
    %dma_wait3A_387 = arith.constant 0 : i32
    %dma_wait3A_388 = arith.constant 0 : i32
    %dma_wait3A_389 = arith.constant 0 : i32
    %dma_wait3A_390 = tpu.memref_slice %arg6[%dma_wait3A_387, %dma_wait3A_388, %dma_wait3A_389] : memref<3x128x128xf32, #tpu.memory_space<vmem>> -> memref<3x128x128xf32, #tpu.memory_space<vmem>>
    tpu.wait_dma2 semaphore(%arg10 : memref<!tpu.dma_semaphore, #tpu.memory_space<semaphore_mem>>) src(%dma_wait3A_390 : memref<3x128x128xf32, #tpu.memory_space<vmem>>) dst(%dma_wait3A_386 : memref<3x128x128xf32, #tpu.memory_space<hbm>>)
    %dma_start3A_391 = arith.constant 8 : i32
    %dma_start3A_392 = arith.constant 0 : i32
    %dma_start3A_393 = arith.constant 0 : i32
    %dma_start3A_394 = arith.constant 0 : i32
    %dma_start3A_395 = tpu.memref_slice %arg6[%dma_start3A_392, %dma_start3A_393, %dma_start3A_394] : memref<3x128x128xf32, #tpu.memory_space<vmem>> -> memref<3x128x128xf32, #tpu.memory_space<vmem>>
    %dma_start3A_396 = arith.constant 0 : i32
    %dma_start3A_397 = tpu.memref_slice %arg5[%dma_start3A_391, %dma_start3A_396] : memref<11x8xi32, #tpu.memory_space<vmem>> -> memref<1x3xi32, #tpu.memory_space<vmem>>
    %dma_start3A_398 = tpu.memref_squeeze %dma_start3A_397 : memref<1x3xi32, #tpu.memory_space<vmem>> -> memref<3xi32, #tpu.memory_space<vmem>>
    %dma_start3A_399 = arith.constant 0 : i32
    %dma_start3A_400 = arith.constant 0 : i32
    %dma_start3A_401 = arith.constant 0 : i32
    %dma_start3A_402 = tpu.memref_slice %arg3[%dma_start3A_399, %dma_start3A_400, %dma_start3A_401] : memref<1000x128x128xf32, #tpu.memory_space<hbm>> -> memref<1000x128x128xf32, #tpu.memory_space<hbm>>
    tpu.enqueue_indirect_dma source(%dma_start3A_402 : memref<1000x128x128xf32, #tpu.memory_space<hbm>>) target(%dma_start3A_395 : memref<3x128x128xf32, #tpu.memory_space<vmem>>) offsets(%dma_start3A_398 : memref<3xi32, #tpu.memory_space<vmem>>) semaphore(%arg8 : memref<!tpu.dma_semaphore, #tpu.memory_space<semaphore_mem>>)
    %dma_wait3A_403 = arith.constant 7 : i32
    %dma_wait3A_404 = arith.constant 0 : i32
    %dma_wait3A_405 = arith.constant 0 : i32
    %dma_wait3A_406 = arith.constant 0 : i32
    %dma_wait3A_407 = tpu.memref_slice %arg7[%dma_wait3A_404, %dma_wait3A_405, %dma_wait3A_406] : memref<3x128x128xf32, #tpu.memory_space<vmem>> -> memref<3x128x128xf32, #tpu.memory_space<vmem>>
    %dma_wait3A_408 = arith.constant 0 : i32
    %dma_wait3A_409 = tpu.memref_slice %arg5[%dma_wait3A_403, %dma_wait3A_408] : memref<11x8xi32, #tpu.memory_space<vmem>> -> memref<1x3xi32, #tpu.memory_space<vmem>>
    %dma_wait3A_410 = tpu.memref_squeeze %dma_wait3A_409 : memref<1x3xi32, #tpu.memory_space<vmem>> -> memref<3xi32, #tpu.memory_space<vmem>>
    %dma_wait3A_411 = arith.constant 0 : i32
    %dma_wait3A_412 = arith.constant 0 : i32
    %dma_wait3A_413 = arith.constant 0 : i32
    %dma_wait3A_414 = tpu.memref_slice %arg3[%dma_wait3A_411, %dma_wait3A_412, %dma_wait3A_413] : memref<1000x128x128xf32, #tpu.memory_space<hbm>> -> memref<1000x128x128xf32, #tpu.memory_space<hbm>>
    tpu.wait_indirect_dma semaphore(%arg9 : memref<!tpu.dma_semaphore, #tpu.memory_space<semaphore_mem>>) src(%dma_wait3A_414 : memref<1000x128x128xf32, #tpu.memory_space<hbm>>) dst(%dma_wait3A_407 : memref<3x128x128xf32, #tpu.memory_space<vmem>>)
    %add3A_415 = arith.constant 21 : i32
    %add3A_416 = arith.addi %mul3A_2, %add3A_415 : i32
    %dma_start3A_417 = arith.constant 0 : i32
    %dma_start3A_418 = arith.constant 0 : i32
    %dma_start3A_419 = arith.constant 0 : i32
    %dma_start3A_420 = tpu.memref_slice %arg7[%dma_start3A_417, %dma_start3A_418, %dma_start3A_419] : memref<3x128x128xf32, #tpu.memory_space<vmem>> -> memref<3x128x128xf32, #tpu.memory_space<vmem>>
    %dma_start3A_421 = arith.constant 0 : i32
    %dma_start3A_422 = arith.constant 0 : i32
    %dma_start3A_423 = tpu.memref_slice %arg4[%add3A_416, %dma_start3A_421, %dma_start3A_422] : memref<1024x128x128xf32, #tpu.memory_space<hbm>> -> memref<3x128x128xf32, #tpu.memory_space<hbm>>
    %dma_start3A_424 = arith.constant 0 : i32
    %dma_start3A_425 = arith.constant 0 : i32
    %dma_start3A_426 = tpu.memref_slice %arg4[%add3A_416, %dma_start3A_424, %dma_start3A_425] : memref<1024x128x128xf32, #tpu.memory_space<hbm>> -> memref<3x128x128xf32, #tpu.memory_space<hbm>>
    %dma_start3A_427 = arith.constant 0 : i32
    %dma_start3A_428 = arith.constant 0 : i32
    %dma_start3A_429 = arith.constant 0 : i32
    %dma_start3A_430 = tpu.memref_slice %arg7[%dma_start3A_427, %dma_start3A_428, %dma_start3A_429] : memref<3x128x128xf32, #tpu.memory_space<vmem>> -> memref<3x128x128xf32, #tpu.memory_space<vmem>>
    tpu.enqueue_dma source(%dma_start3A_430 : memref<3x128x128xf32, #tpu.memory_space<vmem>>) target(%dma_start3A_426 : memref<3x128x128xf32, #tpu.memory_space<hbm>>) target_semaphore(%arg11 : memref<!tpu.dma_semaphore, #tpu.memory_space<semaphore_mem>>)
    %dma_wait3A_431 = arith.constant 0 : i32
    %dma_wait3A_432 = arith.constant 0 : i32
    %dma_wait3A_433 = arith.constant 0 : i32
    %dma_wait3A_434 = tpu.memref_slice %arg7[%dma_wait3A_431, %dma_wait3A_432, %dma_wait3A_433] : memref<3x128x128xf32, #tpu.memory_space<vmem>> -> memref<3x128x128xf32, #tpu.memory_space<vmem>>
    %dma_wait3A_435 = arith.constant 0 : i32
    %dma_wait3A_436 = arith.constant 0 : i32
    %dma_wait3A_437 = tpu.memref_slice %arg4[%add3A_416, %dma_wait3A_435, %dma_wait3A_436] : memref<1024x128x128xf32, #tpu.memory_space<hbm>> -> memref<3x128x128xf32, #tpu.memory_space<hbm>>
    %dma_wait3A_438 = arith.constant 0 : i32
    %dma_wait3A_439 = arith.constant 0 : i32
    %dma_wait3A_440 = tpu.memref_slice %arg4[%add3A_416, %dma_wait3A_438, %dma_wait3A_439] : memref<1024x128x128xf32, #tpu.memory_space<hbm>> -> memref<3x128x128xf32, #tpu.memory_space<hbm>>
    %dma_wait3A_441 = arith.constant 0 : i32
    %dma_wait3A_442 = arith.constant 0 : i32
    %dma_wait3A_443 = arith.constant 0 : i32
    %dma_wait3A_444 = tpu.memref_slice %arg7[%dma_wait3A_441, %dma_wait3A_442, %dma_wait3A_443] : memref<3x128x128xf32, #tpu.memory_space<vmem>> -> memref<3x128x128xf32, #tpu.memory_space<vmem>>
    tpu.wait_dma2 semaphore(%arg11 : memref<!tpu.dma_semaphore, #tpu.memory_space<semaphore_mem>>) src(%dma_wait3A_444 : memref<3x128x128xf32, #tpu.memory_space<vmem>>) dst(%dma_wait3A_440 : memref<3x128x128xf32, #tpu.memory_space<hbm>>)
    %dma_start3A_445 = arith.constant 9 : i32
    %dma_start3A_446 = arith.constant 0 : i32
    %dma_start3A_447 = arith.constant 0 : i32
    %dma_start3A_448 = arith.constant 0 : i32
    %dma_start3A_449 = tpu.memref_slice %arg7[%dma_start3A_446, %dma_start3A_447, %dma_start3A_448] : memref<3x128x128xf32, #tpu.memory_space<vmem>> -> memref<3x128x128xf32, #tpu.memory_space<vmem>>
    %dma_start3A_450 = arith.constant 0 : i32
    %dma_start3A_451 = tpu.memref_slice %arg5[%dma_start3A_445, %dma_start3A_450] : memref<11x8xi32, #tpu.memory_space<vmem>> -> memref<1x3xi32, #tpu.memory_space<vmem>>
    %dma_start3A_452 = tpu.memref_squeeze %dma_start3A_451 : memref<1x3xi32, #tpu.memory_space<vmem>> -> memref<3xi32, #tpu.memory_space<vmem>>
    %dma_start3A_453 = arith.constant 0 : i32
    %dma_start3A_454 = arith.constant 0 : i32
    %dma_start3A_455 = arith.constant 0 : i32
    %dma_start3A_456 = tpu.memref_slice %arg3[%dma_start3A_453, %dma_start3A_454, %dma_start3A_455] : memref<1000x128x128xf32, #tpu.memory_space<hbm>> -> memref<1000x128x128xf32, #tpu.memory_space<hbm>>
    tpu.enqueue_indirect_dma source(%dma_start3A_456 : memref<1000x128x128xf32, #tpu.memory_space<hbm>>) target(%dma_start3A_449 : memref<3x128x128xf32, #tpu.memory_space<vmem>>) offsets(%dma_start3A_452 : memref<3xi32, #tpu.memory_space<vmem>>) semaphore(%arg9 : memref<!tpu.dma_semaphore, #tpu.memory_space<semaphore_mem>>)
    %dma_wait3A_457 = arith.constant 8 : i32
    %dma_wait3A_458 = arith.constant 0 : i32
    %dma_wait3A_459 = arith.constant 0 : i32
    %dma_wait3A_460 = arith.constant 0 : i32
    %dma_wait3A_461 = tpu.memref_slice %arg6[%dma_wait3A_458, %dma_wait3A_459, %dma_wait3A_460] : memref<3x128x128xf32, #tpu.memory_space<vmem>> -> memref<3x128x128xf32, #tpu.memory_space<vmem>>
    %dma_wait3A_462 = arith.constant 0 : i32
    %dma_wait3A_463 = tpu.memref_slice %arg5[%dma_wait3A_457, %dma_wait3A_462] : memref<11x8xi32, #tpu.memory_space<vmem>> -> memref<1x3xi32, #tpu.memory_space<vmem>>
    %dma_wait3A_464 = tpu.memref_squeeze %dma_wait3A_463 : memref<1x3xi32, #tpu.memory_space<vmem>> -> memref<3xi32, #tpu.memory_space<vmem>>
    %dma_wait3A_465 = arith.constant 0 : i32
    %dma_wait3A_466 = arith.constant 0 : i32
    %dma_wait3A_467 = arith.constant 0 : i32
    %dma_wait3A_468 = tpu.memref_slice %arg3[%dma_wait3A_465, %dma_wait3A_466, %dma_wait3A_467] : memref<1000x128x128xf32, #tpu.memory_space<hbm>> -> memref<1000x128x128xf32, #tpu.memory_space<hbm>>
    tpu.wait_indirect_dma semaphore(%arg8 : memref<!tpu.dma_semaphore, #tpu.memory_space<semaphore_mem>>) src(%dma_wait3A_468 : memref<1000x128x128xf32, #tpu.memory_space<hbm>>) dst(%dma_wait3A_461 : memref<3x128x128xf32, #tpu.memory_space<vmem>>)
    %add3A_469 = arith.constant 24 : i32
    %add3A_470 = arith.addi %mul3A_2, %add3A_469 : i32
    %dma_start3A_471 = arith.constant 0 : i32
    %dma_start3A_472 = arith.constant 0 : i32
    %dma_start3A_473 = arith.constant 0 : i32
    %dma_start3A_474 = tpu.memref_slice %arg6[%dma_start3A_471, %dma_start3A_472, %dma_start3A_473] : memref<3x128x128xf32, #tpu.memory_space<vmem>> -> memref<3x128x128xf32, #tpu.memory_space<vmem>>
    %dma_start3A_475 = arith.constant 0 : i32
    %dma_start3A_476 = arith.constant 0 : i32
    %dma_start3A_477 = tpu.memref_slice %arg4[%add3A_470, %dma_start3A_475, %dma_start3A_476] : memref<1024x128x128xf32, #tpu.memory_space<hbm>> -> memref<3x128x128xf32, #tpu.memory_space<hbm>>
    %dma_start3A_478 = arith.constant 0 : i32
    %dma_start3A_479 = arith.constant 0 : i32
    %dma_start3A_480 = tpu.memref_slice %arg4[%add3A_470, %dma_start3A_478, %dma_start3A_479] : memref<1024x128x128xf32, #tpu.memory_space<hbm>> -> memref<3x128x128xf32, #tpu.memory_space<hbm>>
    %dma_start3A_481 = arith.constant 0 : i32
    %dma_start3A_482 = arith.constant 0 : i32
    %dma_start3A_483 = arith.constant 0 : i32
    %dma_start3A_484 = tpu.memref_slice %arg6[%dma_start3A_481, %dma_start3A_482, %dma_start3A_483] : memref<3x128x128xf32, #tpu.memory_space<vmem>> -> memref<3x128x128xf32, #tpu.memory_space<vmem>>
    tpu.enqueue_dma source(%dma_start3A_484 : memref<3x128x128xf32, #tpu.memory_space<vmem>>) target(%dma_start3A_480 : memref<3x128x128xf32, #tpu.memory_space<hbm>>) target_semaphore(%arg10 : memref<!tpu.dma_semaphore, #tpu.memory_space<semaphore_mem>>)
    %dma_wait3A_485 = arith.constant 0 : i32
    %dma_wait3A_486 = arith.constant 0 : i32
    %dma_wait3A_487 = arith.constant 0 : i32
    %dma_wait3A_488 = tpu.memref_slice %arg6[%dma_wait3A_485, %dma_wait3A_486, %dma_wait3A_487] : memref<3x128x128xf32, #tpu.memory_space<vmem>> -> memref<3x128x128xf32, #tpu.memory_space<vmem>>
    %dma_wait3A_489 = arith.constant 0 : i32
    %dma_wait3A_490 = arith.constant 0 : i32
    %dma_wait3A_491 = tpu.memref_slice %arg4[%add3A_470, %dma_wait3A_489, %dma_wait3A_490] : memref<1024x128x128xf32, #tpu.memory_space<hbm>> -> memref<3x128x128xf32, #tpu.memory_space<hbm>>
    %dma_wait3A_492 = arith.constant 0 : i32
    %dma_wait3A_493 = arith.constant 0 : i32
    %dma_wait3A_494 = tpu.memref_slice %arg4[%add3A_470, %dma_wait3A_492, %dma_wait3A_493] : memref<1024x128x128xf32, #tpu.memory_space<hbm>> -> memref<3x128x128xf32, #tpu.memory_space<hbm>>
    %dma_wait3A_495 = arith.constant 0 : i32
    %dma_wait3A_496 = arith.constant 0 : i32
    %dma_wait3A_497 = arith.constant 0 : i32
    %dma_wait3A_498 = tpu.memref_slice %arg6[%dma_wait3A_495, %dma_wait3A_496, %dma_wait3A_497] : memref<3x128x128xf32, #tpu.memory_space<vmem>> -> memref<3x128x128xf32, #tpu.memory_space<vmem>>
    tpu.wait_dma2 semaphore(%arg10 : memref<!tpu.dma_semaphore, #tpu.memory_space<semaphore_mem>>) src(%dma_wait3A_498 : memref<3x128x128xf32, #tpu.memory_space<vmem>>) dst(%dma_wait3A_494 : memref<3x128x128xf32, #tpu.memory_space<hbm>>)
    %dma_start3A_499 = arith.constant 10 : i32
    %dma_start3A_500 = arith.constant 0 : i32
    %dma_start3A_501 = arith.constant 0 : i32
    %dma_start3A_502 = arith.constant 0 : i32
    %dma_start3A_503 = tpu.memref_slice %arg6[%dma_start3A_500, %dma_start3A_501, %dma_start3A_502] : memref<3x128x128xf32, #tpu.memory_space<vmem>> -> memref<2x128x128xf32, #tpu.memory_space<vmem>>
    %dma_start3A_504 = arith.constant 0 : i32
    %dma_start3A_505 = tpu.memref_slice %arg5[%dma_start3A_499, %dma_start3A_504] : memref<11x8xi32, #tpu.memory_space<vmem>> -> memref<1x2xi32, #tpu.memory_space<vmem>>
    %dma_start3A_506 = tpu.memref_squeeze %dma_start3A_505 : memref<1x2xi32, #tpu.memory_space<vmem>> -> memref<2xi32, #tpu.memory_space<vmem>>
    %dma_start3A_507 = arith.constant 0 : i32
    %dma_start3A_508 = arith.constant 0 : i32
    %dma_start3A_509 = arith.constant 0 : i32
    %dma_start3A_510 = tpu.memref_slice %arg3[%dma_start3A_507, %dma_start3A_508, %dma_start3A_509] : memref<1000x128x128xf32, #tpu.memory_space<hbm>> -> memref<1000x128x128xf32, #tpu.memory_space<hbm>>
    tpu.enqueue_indirect_dma source(%dma_start3A_510 : memref<1000x128x128xf32, #tpu.memory_space<hbm>>) target(%dma_start3A_503 : memref<2x128x128xf32, #tpu.memory_space<vmem>>) offsets(%dma_start3A_506 : memref<2xi32, #tpu.memory_space<vmem>>) semaphore(%arg8 : memref<!tpu.dma_semaphore, #tpu.memory_space<semaphore_mem>>)
    %dma_wait3A_511 = arith.constant 9 : i32
    %dma_wait3A_512 = arith.constant 0 : i32
    %dma_wait3A_513 = arith.constant 0 : i32
    %dma_wait3A_514 = arith.constant 0 : i32
    %dma_wait3A_515 = tpu.memref_slice %arg7[%dma_wait3A_512, %dma_wait3A_513, %dma_wait3A_514] : memref<3x128x128xf32, #tpu.memory_space<vmem>> -> memref<3x128x128xf32, #tpu.memory_space<vmem>>
    %dma_wait3A_516 = arith.constant 0 : i32
    %dma_wait3A_517 = tpu.memref_slice %arg5[%dma_wait3A_511, %dma_wait3A_516] : memref<11x8xi32, #tpu.memory_space<vmem>> -> memref<1x3xi32, #tpu.memory_space<vmem>>
    %dma_wait3A_518 = tpu.memref_squeeze %dma_wait3A_517 : memref<1x3xi32, #tpu.memory_space<vmem>> -> memref<3xi32, #tpu.memory_space<vmem>>
    %dma_wait3A_519 = arith.constant 0 : i32
    %dma_wait3A_520 = arith.constant 0 : i32
    %dma_wait3A_521 = arith.constant 0 : i32
    %dma_wait3A_522 = tpu.memref_slice %arg3[%dma_wait3A_519, %dma_wait3A_520, %dma_wait3A_521] : memref<1000x128x128xf32, #tpu.memory_space<hbm>> -> memref<1000x128x128xf32, #tpu.memory_space<hbm>>
    tpu.wait_indirect_dma semaphore(%arg9 : memref<!tpu.dma_semaphore, #tpu.memory_space<semaphore_mem>>) src(%dma_wait3A_522 : memref<1000x128x128xf32, #tpu.memory_space<hbm>>) dst(%dma_wait3A_515 : memref<3x128x128xf32, #tpu.memory_space<vmem>>)
    %add3A_523 = arith.constant 27 : i32
    %add3A_524 = arith.addi %mul3A_2, %add3A_523 : i32
    %dma_start3A_525 = arith.constant 0 : i32
    %dma_start3A_526 = arith.constant 0 : i32
    %dma_start3A_527 = arith.constant 0 : i32
    %dma_start3A_528 = tpu.memref_slice %arg7[%dma_start3A_525, %dma_start3A_526, %dma_start3A_527] : memref<3x128x128xf32, #tpu.memory_space<vmem>> -> memref<3x128x128xf32, #tpu.memory_space<vmem>>
    %dma_start3A_529 = arith.constant 0 : i32
    %dma_start3A_530 = arith.constant 0 : i32
    %dma_start3A_531 = tpu.memref_slice %arg4[%add3A_524, %dma_start3A_529, %dma_start3A_530] : memref<1024x128x128xf32, #tpu.memory_space<hbm>> -> memref<3x128x128xf32, #tpu.memory_space<hbm>>
    %dma_start3A_532 = arith.constant 0 : i32
    %dma_start3A_533 = arith.constant 0 : i32
    %dma_start3A_534 = tpu.memref_slice %arg4[%add3A_524, %dma_start3A_532, %dma_start3A_533] : memref<1024x128x128xf32, #tpu.memory_space<hbm>> -> memref<3x128x128xf32, #tpu.memory_space<hbm>>
    %dma_start3A_535 = arith.constant 0 : i32
    %dma_start3A_536 = arith.constant 0 : i32
    %dma_start3A_537 = arith.constant 0 : i32
    %dma_start3A_538 = tpu.memref_slice %arg7[%dma_start3A_535, %dma_start3A_536, %dma_start3A_537] : memref<3x128x128xf32, #tpu.memory_space<vmem>> -> memref<3x128x128xf32, #tpu.memory_space<vmem>>
    tpu.enqueue_dma source(%dma_start3A_538 : memref<3x128x128xf32, #tpu.memory_space<vmem>>) target(%dma_start3A_534 : memref<3x128x128xf32, #tpu.memory_space<hbm>>) target_semaphore(%arg11 : memref<!tpu.dma_semaphore, #tpu.memory_space<semaphore_mem>>)
    %dma_wait3A_539 = arith.constant 10 : i32
    %dma_wait3A_540 = arith.constant 0 : i32
    %dma_wait3A_541 = arith.constant 0 : i32
    %dma_wait3A_542 = arith.constant 0 : i32
    %dma_wait3A_543 = tpu.memref_slice %arg6[%dma_wait3A_540, %dma_wait3A_541, %dma_wait3A_542] : memref<3x128x128xf32, #tpu.memory_space<vmem>> -> memref<2x128x128xf32, #tpu.memory_space<vmem>>
    %dma_wait3A_544 = arith.constant 0 : i32
    %dma_wait3A_545 = tpu.memref_slice %arg5[%dma_wait3A_539, %dma_wait3A_544] : memref<11x8xi32, #tpu.memory_space<vmem>> -> memref<1x2xi32, #tpu.memory_space<vmem>>
    %dma_wait3A_546 = tpu.memref_squeeze %dma_wait3A_545 : memref<1x2xi32, #tpu.memory_space<vmem>> -> memref<2xi32, #tpu.memory_space<vmem>>
    %dma_wait3A_547 = arith.constant 0 : i32
    %dma_wait3A_548 = arith.constant 0 : i32
    %dma_wait3A_549 = arith.constant 0 : i32
    %dma_wait3A_550 = tpu.memref_slice %arg3[%dma_wait3A_547, %dma_wait3A_548, %dma_wait3A_549] : memref<1000x128x128xf32, #tpu.memory_space<hbm>> -> memref<1000x128x128xf32, #tpu.memory_space<hbm>>
    tpu.wait_indirect_dma semaphore(%arg8 : memref<!tpu.dma_semaphore, #tpu.memory_space<semaphore_mem>>) src(%dma_wait3A_550 : memref<1000x128x128xf32, #tpu.memory_space<hbm>>) dst(%dma_wait3A_543 : memref<2x128x128xf32, #tpu.memory_space<vmem>>)
    %add3A_551 = arith.constant 30 : i32
    %add3A_552 = arith.addi %mul3A_2, %add3A_551 : i32
    %dma_start3A_553 = arith.constant 0 : i32
    %dma_start3A_554 = arith.constant 0 : i32
    %dma_start3A_555 = arith.constant 0 : i32
    %dma_start3A_556 = tpu.memref_slice %arg6[%dma_start3A_553, %dma_start3A_554, %dma_start3A_555] : memref<3x128x128xf32, #tpu.memory_space<vmem>> -> memref<2x128x128xf32, #tpu.memory_space<vmem>>
    %dma_start3A_557 = arith.constant 0 : i32
    %dma_start3A_558 = arith.constant 0 : i32
    %dma_start3A_559 = tpu.memref_slice %arg4[%add3A_552, %dma_start3A_557, %dma_start3A_558] : memref<1024x128x128xf32, #tpu.memory_space<hbm>> -> memref<2x128x128xf32, #tpu.memory_space<hbm>>
    %dma_start3A_560 = arith.constant 0 : i32
    %dma_start3A_561 = arith.constant 0 : i32
    %dma_start3A_562 = tpu.memref_slice %arg4[%add3A_552, %dma_start3A_560, %dma_start3A_561] : memref<1024x128x128xf32, #tpu.memory_space<hbm>> -> memref<2x128x128xf32, #tpu.memory_space<hbm>>
    %dma_start3A_563 = arith.constant 0 : i32
    %dma_start3A_564 = arith.constant 0 : i32
    %dma_start3A_565 = arith.constant 0 : i32
    %dma_start3A_566 = tpu.memref_slice %arg6[%dma_start3A_563, %dma_start3A_564, %dma_start3A_565] : memref<3x128x128xf32, #tpu.memory_space<vmem>> -> memref<2x128x128xf32, #tpu.memory_space<vmem>>
    tpu.enqueue_dma source(%dma_start3A_566 : memref<2x128x128xf32, #tpu.memory_space<vmem>>) target(%dma_start3A_562 : memref<2x128x128xf32, #tpu.memory_space<hbm>>) target_semaphore(%arg10 : memref<!tpu.dma_semaphore, #tpu.memory_space<semaphore_mem>>)
    %dma_wait3A_567 = arith.constant 0 : i32
    %dma_wait3A_568 = arith.constant 0 : i32
    %dma_wait3A_569 = arith.constant 0 : i32
    %dma_wait3A_570 = tpu.memref_slice %arg7[%dma_wait3A_567, %dma_wait3A_568, %dma_wait3A_569] : memref<3x128x128xf32, #tpu.memory_space<vmem>> -> memref<3x128x128xf32, #tpu.memory_space<vmem>>
    %dma_wait3A_571 = arith.constant 0 : i32
    %dma_wait3A_572 = arith.constant 0 : i32
    %dma_wait3A_573 = tpu.memref_slice %arg4[%add3A_524, %dma_wait3A_571, %dma_wait3A_572] : memref<1024x128x128xf32, #tpu.memory_space<hbm>> -> memref<3x128x128xf32, #tpu.memory_space<hbm>>
    %dma_wait3A_574 = arith.constant 0 : i32
    %dma_wait3A_575 = arith.constant 0 : i32
    %dma_wait3A_576 = tpu.memref_slice %arg4[%add3A_524, %dma_wait3A_574, %dma_wait3A_575] : memref<1024x128x128xf32, #tpu.memory_space<hbm>> -> memref<3x128x128xf32, #tpu.memory_space<hbm>>
    %dma_wait3A_577 = arith.constant 0 : i32
    %dma_wait3A_578 = arith.constant 0 : i32
    %dma_wait3A_579 = arith.constant 0 : i32
    %dma_wait3A_580 = tpu.memref_slice %arg7[%dma_wait3A_577, %dma_wait3A_578, %dma_wait3A_579] : memref<3x128x128xf32, #tpu.memory_space<vmem>> -> memref<3x128x128xf32, #tpu.memory_space<vmem>>
    tpu.wait_dma2 semaphore(%arg11 : memref<!tpu.dma_semaphore, #tpu.memory_space<semaphore_mem>>) src(%dma_wait3A_580 : memref<3x128x128xf32, #tpu.memory_space<vmem>>) dst(%dma_wait3A_576 : memref<3x128x128xf32, #tpu.memory_space<hbm>>)
    %dma_wait3A_581 = arith.constant 0 : i32
    %dma_wait3A_582 = arith.constant 0 : i32
    %dma_wait3A_583 = arith.constant 0 : i32
    %dma_wait3A_584 = tpu.memref_slice %arg6[%dma_wait3A_581, %dma_wait3A_582, %dma_wait3A_583] : memref<3x128x128xf32, #tpu.memory_space<vmem>> -> memref<2x128x128xf32, #tpu.memory_space<vmem>>
    %dma_wait3A_585 = arith.constant 0 : i32
    %dma_wait3A_586 = arith.constant 0 : i32
    %dma_wait3A_587 = tpu.memref_slice %arg4[%add3A_552, %dma_wait3A_585, %dma_wait3A_586] : memref<1024x128x128xf32, #tpu.memory_space<hbm>> -> memref<2x128x128xf32, #tpu.memory_space<hbm>>
    %dma_wait3A_588 = arith.constant 0 : i32
    %dma_wait3A_589 = arith.constant 0 : i32
    %dma_wait3A_590 = tpu.memref_slice %arg4[%add3A_552, %dma_wait3A_588, %dma_wait3A_589] : memref<1024x128x128xf32, #tpu.memory_space<hbm>> -> memref<2x128x128xf32, #tpu.memory_space<hbm>>
    %dma_wait3A_591 = arith.constant 0 : i32
    %dma_wait3A_592 = arith.constant 0 : i32
    %dma_wait3A_593 = arith.constant 0 : i32
    %dma_wait3A_594 = tpu.memref_slice %arg6[%dma_wait3A_591, %dma_wait3A_592, %dma_wait3A_593] : memref<3x128x128xf32, #tpu.memory_space<vmem>> -> memref<2x128x128xf32, #tpu.memory_space<vmem>>
    tpu.wait_dma2 semaphore(%arg10 : memref<!tpu.dma_semaphore, #tpu.memory_space<semaphore_mem>>) src(%dma_wait3A_594 : memref<2x128x128xf32, #tpu.memory_space<vmem>>) dst(%dma_wait3A_590 : memref<2x128x128xf32, #tpu.memory_space<hbm>>)
    return
  }
}

module attributes {stable_mosaic.version = 14 : i64} {
  func.func @_bias_body(%arg0: i32, %arg1: memref<1024xi32, #tpu.memory_space<smem>>, %arg2: memref<1000x8x128xf32, #tpu.memory_space<vmem>>, %arg3: memref<1024x8x128xf32, #tpu.memory_space<vmem>>) attributes {dimension_semantics = [#tpu.dimension_semantics<arbitrary>], iteration_bounds = array<i64: 1>, scalar_prefetch = 1 : i64, scratch_operands = 0 : i64, tpu.core_type = #tpu.core_type<tc>, window_params = [{pipeline_mode = #tpu.pipeline_mode<synchronous>, transform_indices = @transform_0, window_bounds = array<i64: 1000, 8, 128>}, {pipeline_mode = #tpu.pipeline_mode<synchronous>, transform_indices = @transform_1, window_bounds = array<i64: 1024, 8, 128>}]} {
    %scan3A = arith.constant 0 : i32
    %scan3A_0 = arith.constant 1024 : i32
    %scan3A_1 = arith.addi %scan3A, %scan3A_0 : i32
    %scan3A_2 = arith.constant 1 : i32
    scf.for %scan3A_4 = %scan3A to %scan3A_1 step %scan3A_2  : i32 {
      %get3A = arith.index_cast %scan3A_4 : i32 to index
      %get3A_5 = memref.load %arg1[%get3A] : memref<1024xi32, #tpu.memory_space<smem>>
      %get3A_6 = arith.index_cast %get3A_5 : i32 to index
      %get3A_7 = arith.constant 0 : index
      %get3A_8 = arith.constant 0 : index
      %get3A_9 = vector.load %arg2[%get3A_6, %get3A_7, %get3A_8] : memref<1000x8x128xf32, #tpu.memory_space<vmem>>, vector<1x8x128xf32>
      %swap3A = arith.index_cast %scan3A_4 : i32 to index
      %swap3A_10 = arith.constant 0 : index
      %swap3A_11 = arith.constant 0 : index
      %swap3A_12 = vector.load %arg3[%swap3A, %swap3A_10, %swap3A_11] : memref<1024x8x128xf32, #tpu.memory_space<vmem>>, vector<1x8x128xf32>
      tpu.vector_store %arg3[%swap3A, %swap3A_10, %swap3A_11], %get3A_9 {strides = array<i32>} : memref<1024x8x128xf32, #tpu.memory_space<vmem>>, vector<1x8x128xf32>,
    }
    %scan3A_3 = arith.constant 1024 : i32
    return
  }
  func.func @transform_0(%arg0: i32, %arg1: memref<1024xi32, #tpu.memory_space<smem>>) -> (i32, i32, i32) {
    %c0_i32 = arith.constant 0 : i32
    %c0_i32_0 = arith.constant 0 : i32
    %c0_i32_1 = arith.constant 0 : i32
    %c0_i32_2 = arith.constant 0 : i32
    return %c0_i32, %c0_i32_0, %c0_i32_1 : i32, i32, i32
  }
  func.func @transform_1(%arg0: i32, %arg1: memref<1024xi32, #tpu.memory_space<smem>>) -> (i32, i32, i32) {
    %c0_i32 = arith.constant 0 : i32
    %c0_i32_0 = arith.constant 0 : i32
    %c0_i32_1 = arith.constant 0 : i32
    %c0_i32_2 = arith.constant 0 : i32
    return %c0_i32, %c0_i32_0, %c0_i32_1 : i32, i32, i32
  }
}

</mosaic_0001>

<sc_bundles>
// kernel: kernel.4.cloned.1.call-start
scs
__scs_entry_jumppad:
0x0: {  	(pc) =	sbr.rel $0x88, $3  }
0x1: {  	(tag) =	ssettag $0x0;
	lr =	simm.s32 $0x1  }
0x2: {  	[smem:$0x3F9E] =	sst lr;
	_ =	strace $0xD0000000  }
0x3: {  	_ = 	snop  }
0x4: {  	_ = 	snop  }
0x5: {  	_ = 	snop  }
0x6: {  	_ = 	snop  }
0x7: {  	_ = 	snop  }
__scs_overlays_trampoline_lowered:
0x8: {  	[smem:$0x3FAD] =	sst s0  }
0x9: {  	[smem:$0x3FAE] =	sst s1  }
0xa: {  	[smem:$0x3FAF] =	sst s2  }
0xb: {  	[smem:$0x3FB0] =	sst s3  }
0xc: {  	[smem:$0x3FB1] =	sst s4  }
0xd: {  	[smem:$0x3FB2] =	sst s5  }
0xe: {  	[smem:$0x3FB3] =	sst s6  }
0xf: {  	[smem:$0x3FB4] =	sst s7  }
0x10: {  	[smem:$0x3FB5] =	sst s8  }
0x11: {  	[smem:$0x3FB6] =	sst s9;
	s0 =	simm.s32 @!p0 $0x0  }
0x12: {  	s1 =	sld [smem:$0x3F9C];
	s0 =	simm.s32 @p0 $0x1  }
0x13: {  	[smem:$0x3FB7] =	sst s0;
	s0 =	simm.s32 @!p1 $0x0  }
0x14: {  	s2 =	sld [smem:$0x3F9B];
	s0 =	simm.s32 @p1 $0x1  }
0x15: {  	[smem:$0x3FB8] =	sst s0;
	s0 =	simm.s32 @!p2 $0x0  }
0x16: {  	s3 =	sld [smem:$0x3FDB];
	s0 =	simm.s32 @p2 $0x1  }
0x17: {  	s4 =	simm.s32 $0x1BF5;
	[smem:$0x3FBA] =	sst s0  }
0x18: {  	s0 =	sld [smem:$0x3F9D];
	_ =	swait.ge [sflag:s4], $0x0  }
0x19: {  	s7 =	sld [smem:$0x3F9E]  }
0x1a: {  	s8 =	sadd.s32 $0xFFFFE003, lr  }
0x1b: {  	s9 =	sadd.s32 $0xFFFFFEF7, lr;
	s5 =	simm.s32 $0xFFFFFFFF;
	p2 =	slt.u32 s8, $0xFFFFF086  }
0x1c: {  	p1 =	slt.u32 s9, $0xF7A;
	s5 =	simm.s32 @!p2 $0x0  }
0x1d: {  	s5 =	simm.s32 @p1 $0x1;
	p0 =	seq.s32 s7, s2  }
0x1e: {  	s7 =	smul.u32 @!p0 $0xF7A, s2;
	p2 =	seq.s32 @!p0 s5, $0x0  }
0x1f: {  	s9 =	smul.u32 $0xF7A, s1;
	s8 =	simm.s32 @!p0 $0x1BF5;
	p2 =	por !p2, p0  }
0x20: {  	[sflag:s8] =	ssyncset.s32 @!p0 $0xFFFFF086;
	s6 =	sadd.s32 @!p0 s3, s7;
	s7 =	simm.s32 @!p0 $0x108  }
0x21: {  	s3 =	sadd.s32 s3, s9;
	s6 =	sadd.s32 @!p0 $0x88, s6;
	s7 =	simm.s32 @p2 $0x1082  }
0x22: {  	[simem:s7], [sflag:s8] =	dma.local @!p0 [hbm:s6], $0xF7A  }
0x23: {  	s9 =	sor.u32 $0xD0000000, s2;
	s6 =	simm.s32 $0x108;
	_ =	swait.ge @!p0 [sflag:s8], $0x0  }
0x24: {  	s3 =	sadd.s32 $0x88, s3;
	s6 =	simm.s32 @!p1 $0x1082;
	[sflag:s4] =	ssyncset.s32 $0xFFFFF086  }
0x25: {  	[simem:s6], [sflag:s4] =	dma.local [hbm:s3], $0xF7A  }
0x26: {  	[smem:$0x3F9E] =	sst s1;
	(tag) =	ssettag s2;
	_ =	strace s9  }
0x27: {  	s1 =	sld [smem:$0x3FAE]  }
0x28: {  	s2 =	sld [smem:$0x3FAF]  }
0x29: {  	s4 =	sld [smem:$0x3FB1]  }
0x2a: {  	p0 =	seq.s32 s5, $0x0;
	s5 =	sld [smem:$0x3FB2]  }
0x2b: {  	s6 =	sld [smem:$0x3FB3]  }
0x2c: {  	s7 =	sld [smem:$0x3FB4]  }
0x2d: {  	s3 =	simm.s32 $0x108;
	s8 =	sld [smem:$0x3FB5]  }
0x2e: {  	s3 =	simm.s32 @!p0 $0x1082;
	s9 =	sld [smem:$0x3FB6]  }
0x2f: {  	lr =	sadd.s32 s0, s3;
	s0 =	sld [smem:$0x3FAD]  }
0x30: {  	s3 =	sld [smem:$0x3FB0]  }
0x31: {  	[smem:$0x3FB9] =	sst s10  }
0x32: {  	s10 =	sld [smem:$0x3FB7];
	_ =	sdelay $0x3  }
0x33: {  	p0 =	seq.s32 s10, $0x1;
	s10 =	sld [smem:$0x3FB9];
	_ =	sdelay $0x3  }
0x34: {  	[smem:$0x3FB9] =	sst s10  }
0x35: {  	s10 =	sld [smem:$0x3FB8];
	_ =	sdelay $0x3  }
0x36: {  	p1 =	seq.s32 s10, $0x1;
	s10 =	sld [smem:$0x3FB9];
	_ =	sdelay $0x3  }
0x37: {  	[smem:$0x3FB9] =	sst s10  }
0x38: {  	s10 =	sld [smem:$0x3FBA]  }
0x39: {  	_ = 	snop;
	(pc) =	sbr.ind lr, $3  }
0x3a: {  	_ = 	snop  }
0x3b: {  	_ = 	snop  }
0x3c: {  	p2 =	seq.s32 s10, $0x1;
	s10 =	sld [smem:$0x3FB9]  }
0x3d: {  	_ =	shalt  }
0x3e: {  	_ =	shalt  }
0x3f: {  	_ =	shalt  }
0x40: {  	_ =	shalt  }
0x41: {  	_ =	shalt  }
0x42: {  	_ =	shalt  }
0x43: {  	_ =	shalt  }
0x44: {  	_ =	shalt  }
0x45: {  	_ =	shalt  }
0x46: {  	_ =	shalt  }
0x47: {  	_ =	shalt  }
0x48: {  	_ =	shalt  }
0x49: {  	_ =	shalt  }
0x4a: {  	_ =	shalt  }
0x4b: {  	_ =	shalt  }
0x4c: {  	_ =	shalt  }
0x4d: {  	_ =	shalt  }
0x4e: {  	_ =	shalt  }
0x4f: {  	_ =	shalt  }
0x50: {  	_ =	shalt  }
0x51: {  	_ =	shalt  }
0x52: {  	_ =	shalt  }
0x53: {  	_ =	shalt  }
0x54: {  	_ =	shalt  }
0x55: {  	_ =	shalt  }
0x56: {  	_ =	shalt  }
0x57: {  	_ =	shalt  }
0x58: {  	_ =	shalt  }
0x59: {  	_ =	shalt  }
0x5a: {  	_ =	shalt  }
0x5b: {  	_ =	shalt  }
0x5c: {  	_ =	shalt  }
0x5d: {  	_ =	shalt  }
0x5e: {  	_ =	shalt  }
0x5f: {  	_ =	shalt  }
0x60: {  	_ =	shalt  }
0x61: {  	_ =	shalt  }
0x62: {  	_ =	shalt  }
0x63: {  	_ =	shalt  }
0x64: {  	_ =	shalt  }
0x65: {  	_ =	shalt  }
0x66: {  	_ =	shalt  }
0x67: {  	_ =	shalt  }
0x68: {  	_ =	shalt  }
0x69: {  	_ =	shalt  }
0x6a: {  	_ =	shalt  }
0x6b: {  	_ =	shalt  }
0x6c: {  	_ =	shalt  }
0x6d: {  	_ =	shalt  }
0x6e: {  	_ =	shalt  }
0x6f: {  	_ =	shalt  }
0x70: {  	_ =	shalt  }
0x71: {  	_ =	shalt  }
0x72: {  	_ =	shalt  }
0x73: {  	_ =	shalt  }
0x74: {  	_ =	shalt  }
0x75: {  	_ =	shalt  }
0x76: {  	_ =	shalt  }
0x77: {  	_ =	shalt  }
0x78: {  	_ =	shalt  }
0x79: {  	_ =	shalt  }
0x7a: {  	_ =	shalt  }
0x7b: {  	_ =	shalt  }
0x7c: {  	_ =	shalt  }
0x7d: {  	_ =	shalt  }
0x7e: {  	_ =	shalt  }
0x7f: {  	_ =	shalt  }
0x80: {  	_ =	shalt  }
0x81: {  	_ =	shalt  }
0x82: {  	_ =	shalt  }
0x83: {  	_ =	shalt  }
0x84: {  	_ =	shalt  }
0x85: {  	_ =	shalt  }
0x86: {  	_ =	shalt  }
0x87: {  	_ =	shalt  }
.Lfunc_end0:
.L_simem_size_0:
called_computation_lowered:
.L_overlay_start_0:
0x88: {  	s2 =	sld [smem:$0x3FD9]  }
0x89: {  	s3 =	sld [smem:$0x3FFE];
	_ =	sdelay $0x1  }
0x8a: {  	s1 =	srdreg.scid  }
0x8b: {  	s0 =	sand.u32 $0x1, s1  }
0x8c: {  	s14 =	sshll.u32 s0, $0xA;
	s2 =	sadd.s32 s3, s2  }
0x8d: {  	s2 =	sadd.s32 s2, s14  }
0x8e: {  	[smem:$0x3FC5] =	sst s2  }
0x8f: {  	_ = 	snop  }
0x90: {  	s2 =	sld [smem:$0x3FD0];
	_ =	sdelay $0x2  }
0x91: {  	s4 =	simm.s32 $0xA;
	s5 =	simm.s32 $0x10;
	s15 =	sld [smem:$0x3FC8]  }
0x92: {  	[smem:s5], [sflag:s4] =	dma.local [hbm:s2], $0x1  }
0x93: {  	_ =	swait.eq [sflag:s4], $0x1  }
0x94: {  	[sflag:s4] =	ssyncset.done $0x0  }
0x95: {  	[sflag:s4] =	ssyncadd.s32 $0xFFFFFFFF  }
0x96: {  	s16 =	sld [smem:$0x10];
	(tm) =	ssettm $0x1  }
0x97: {  	s17 =	sld [smem:$0x3FFB];
	_ =	sdelay $0x3  }
0x98: {  	_ =	strace s17  }
0x99: {  	s4 =	sld [smem:$0x3FFC];
	_ =	sdelay $0x3  }
0x9a: {  	_ =	strace s4  }
0x9b: {  	s4 =	sld [smem:$0x3FFD];
	_ =	sdelay $0x3  }
0x9c: {  	_ =	strace s4  }
0x9d: {  	_ =	strace $0x8FFFFFFF  }
0x9e: {  	s18 =	sld [smem:$0x3FDB];
	_ =	sdelay $0x1  }
0x9f: {  	s19 =	simm.s32 $_scs_section_size  }
0xa0: {  	s6 =	simm.s32 $_size__tile_overlayer_lowered;
	s7 =	simm.s32 $_tile_overlayer_lowered  }
0xa1: {  	s22 =	simm.s32 $0x1BFF;
	s21 =	sshll.u32 s7, $0x1;
	s4 =	sadd.s32 s19, s18  }
0xa2: {  	s8 =	simm.s32 $0x0;
	s20 =	sshll.u32 s6, $0x1;
	s6 =	sadd.s32 s21, s4  }
0xa3: {  	[timem:s8], [sflag:s22] =	dma.local [hbm:s6], s20  }
0xa4: {  	_ =	swait.ge [sflag:s22], s20  }
0xa5: {  	s5 =	ssub.s32 $0x0, s20;
	[sflag:s22] =	ssyncset.done $0x0  }
0xa6: {  	[sflag:s22] =	ssyncadd.s32 s5;
	_ =	sdelay $0x1  }
0xa7: {  	s23 =	simm.s32 $0x1B8B  }
0xa8: {  	_ =	swait.ge [sflag:s23], $0x1  }
0xa9: {  	[sflag:s23] =	ssyncset.done $0x0  }
0xaa: {  	s25 =	simm.s32 $0x1B8E;
	s24 =	sld [smem:$0x3FFE];
	[sflag:s23] =	ssyncadd.s32 $0xFFFFFFFF  }
0xab: {  	s26 =	simm.s32 $execute0_lowered;
	[smem:$0x3FD2] =	sst s25  }
0xac: {  	s6 =	sshll.u32 s26, $0x1;
	_ =	strace $0x80000046;
	[dreg:$0x1] =	wrdreg $0xFFFFFFFF  }
0xad: {  	s28 =	simm.s32 $_size_execute0_lowered;
	s4 =	sadd.s32 s4, s6;
	[dreg:$0x0] =	wrdreg $0x0  }
0xae: {  	s6 =	sshll.u32 s28, $0x1;
	[dreg:$0x2] =	wrdreg s4  }
0xaf: {  	[dreg:$0x3] =	wrdreg s6  }
0xb0: {  	[dreg:$0x4] =	wrdreg $0xC0  }
0xb1: {  	_ =	task [dreg:s8], $0x5FFFF  }
0xb2: {  	[dreg:$0x1] =	wrdreg $0xFFFFFFFF  }
0xb3: {  	[dreg:$0x0] =	wrdreg $0x60  }
0xb4: {  	[dreg:$0x2] =	wrdreg s24  }
0xb5: {  	[dreg:$0x3] =	wrdreg s15  }
0xb6: {  	[dreg:$0x4] =	wrdreg s16  }
0xb7: {  	[dreg:$0x5] =	wrdreg $0x9  }
0xb8: {  	_ =	task.clear_ibuf [dreg:s8], $0x6FFFF;
	_ =	strace $0x90000046  }
0xb9: {  	s29 =	simm.s32 $0x9;
	_ =	strace $0x80000048  }
0xba: {  	_ =	swait.ge [sflag:s29], $0x1  }
0xbb: {  	[sflag:s29] =	ssyncadd.s32 $0xFFFFFFFF  }
0xbc: {  	_ =	strace $0x90000048  }
0xbd: {  	_ =	sfence  }
0xbe: {  	s30 =	sld [smem:$0x0];
	_ =	sdelay $0x2  }
0xbf: {  	s31 =	sshll.u32 s1, $0xD;
	s1 =	sshrl.u32 s1, $0x2  }
0xc0: {  	s3 =	sand.u32 $0x4000, s31;
	s1 =	sadd.s32 s1, s30  }
0xc1: {  	s0 =	sor.u32 s3, s0;
	s1 =	sshll.u32 s1, $0x11  }
0xc2: {  	s0 =	sor.u32 s1, s0  }
0xc3: {  	s0 =	sadd.s32 $0x8F2B, s0  }
0xc4: {  	[sflag:s0] =	ssyncadd.remote.s32 $0x1  }
0xc5: {  	_ =	sfence.sel $0xFFFF  }
0xc6: {  	[dreg:$0x0] =	wrdreg $0xFFFFFFFF;
	(pc) =	sbr.abs _section_cstart, $3  }
0xc7: {  	[dreg:$0x1] =	wrdreg $0xFFFFFFFF  }
0xc8: {  	_ =	task.clear_ibuf [dreg:s8], $0x2FFFF;
	_ =	strace $0x9FFFFFFF  }
0xc9: {  	(tm) =	ssettm $0x7FFFFFFF  }
tec
execute0_lowered:
.L_overlay_start_1:
0x0: {  	(tag) =	ssettag $0x1  }
0x1: {  	s1 =	srdreg.scid;
	s0 =	stileid.u32  }
0x2: {  	s1 =	sand.u32 $0x1, s1;
	s3 =	sshll.u32 s0, $0x1  }
0x3: {  	s4 =	rddreg [dreg:$0x0];
	s6 =	sor.u32 s1, s3  }
0x4: {  	s2 =	rddreg [dreg:$0x1];
	s7 =	sshll.u32 s6, $0x8  }
0x5: {  	s5 =	rddreg [dreg:$0x2];
	s3 =	simm.s32 $0x0;
	s4 =	sadd.s32 s7, s4  }
0x6: {  	[smem:$0x7FF] =	sst s3;
	s25 =	sshll.u32 s6, $0x10;
	s4 =	sadd.s32 $0x800, s4  }
0x7: {  	_ =	strace $0x80000047;
	[dreg:$0x4] =	wrdreg s4;
	s4 =	sadd.s32 s5, s25  }
0x8: {  	s26 =	rddreg [dreg:$0x4];
	s5 =	sadd.s32 $0x1800, s4  }
0x9: {  	[dreg:$0x5] =	wrdreg s5;
	s5 =	simm.s32 $0x5  }
0xa: {  	[tilespmem:s3], [sflag:$0x5] =	stream.linear.gather [hbm4b:s26+s3], $0x580, $0x38;
	[tilespmem:$0x18800] =	vst v63  }
0xb: {  	_ =	swait.ge [sflag:s5], $0x580  }
0xc: {  	[sflag:s5] =	ssyncset.done $0x0  }
0xd: {  	s6 =	simm.s32 $0x3;
	s7 =	simm.s32 $0x800;
	[sflag:s5] =	ssyncadd.s32 $0xFFFFFA80  }
0xe: {  	[tilespmem:s7], [sflag:$0x1] =	stream.indirect.gather [hbm4b:s2+s6], $0x4000, s3, s6, $0xb8;
	[tilespmem:$0x18800] =	vst v63  }
0xf: {  	s8 =	simm.s32 $0x80;
	s9 =	simm.s32 $0xC800;
	s10 =	simm.s32 $0x1  }
0x10: {  	[tilespmem:s9], [sflag:$0x2] =	stream.indirect.gather [hbm4b:s2+s6], $0x4000, s8, s6, $0xb8;
	[tilespmem:$0x18800] =	vst v63  }
0x11: {  	_ =	swait.ge [sflag:s10], $0xC000  }
0x12: {  	[sflag:s10] =	ssyncset.done $0x0  }
0x13: {  	[sflag:s10] =	ssyncadd.s32 $0xFFFF4000  }
0x14: {  	[hbm4b:s4+s3] =	stream.linear.scatter [tilespmem:s7], [sflag:$0x3], $0xC000, $0x38;
	[tilespmem:$0x18800] =	vst v63  }
0x15: {  	_ =	swait.ge [sflag:s6], $0xC000  }
0x16: {  	[sflag:s6] =	ssyncset.done $0x0  }
0x17: {  	s11 =	simm.s32 $0x100;
	s12 =	simm.s32 $0x2;
	[sflag:s6] =	ssyncadd.s32 $0xFFFF4000  }
0x18: {  	[tilespmem:s7], [sflag:$0x1] =	stream.indirect.gather [hbm4b:s2+s6], $0x4000, s11, s6, $0xb8;
	[tilespmem:$0x18800] =	vst v63  }
0x19: {  	_ =	swait.ge [sflag:s12], $0xC000  }
0x1a: {  	[sflag:s12] =	ssyncset.done $0x0  }
0x1b: {  	s13 =	simm.s32 $0x4;
	s14 =	rddreg [dreg:$0x5];
	[sflag:s12] =	ssyncadd.s32 $0xFFFF4000  }
0x1c: {  	[hbm4b:s14+s3] =	stream.linear.scatter [tilespmem:s9], [sflag:$0x4], $0xC000, $0x38;
	[tilespmem:$0x18800] =	vst v63  }
0x1d: {  	_ =	swait.ge [sflag:s13], $0xC000  }
0x1e: {  	[sflag:s13] =	ssyncset.done $0x0  }
0x1f: {  	s14 =	simm.s32 $0x180;
	[sflag:s13] =	ssyncadd.s32 $0xFFFF4000  }
0x20: {  	[tilespmem:s9], [sflag:$0x2] =	stream.indirect.gather [hbm4b:s2+s6], $0x4000, s14, s6, $0xb8;
	[tilespmem:$0x18800] =	vst v63  }
0x21: {  	_ =	swait.ge [sflag:s10], $0xC000  }
0x22: {  	[sflag:s10] =	ssyncset.done $0x0  }
0x23: {  	s15 =	sadd.s32 $0x3000, s4;
	[sflag:s10] =	ssyncadd.s32 $0xFFFF4000  }
0x24: {  	[hbm4b:s15+s3] =	stream.linear.scatter [tilespmem:s7], [sflag:$0x3], $0xC000, $0x38;
	[tilespmem:$0x18800] =	vst v63  }
0x25: {  	_ =	swait.ge [sflag:s6], $0xC000  }
0x26: {  	[sflag:s6] =	ssyncset.done $0x0  }
0x27: {  	s16 =	simm.s32 $0x200;
	[sflag:s6] =	ssyncadd.s32 $0xFFFF4000  }
0x28: {  	[tilespmem:s7], [sflag:$0x1] =	stream.indirect.gather [hbm4b:s2+s6], $0x4000, s16, s6, $0xb8;
	[tilespmem:$0x18800] =	vst v63  }
0x29: {  	_ =	swait.ge [sflag:s12], $0xC000  }
0x2a: {  	[sflag:s12] =	ssyncset.done $0x0  }
0x2b: {  	s17 =	sadd.s32 $0x4800, s4;
	[sflag:s12] =	ssyncadd.s32 $0xFFFF4000  }
0x2c: {  	[hbm4b:s17+s3] =	stream.linear.scatter [tilespmem:s9], [sflag:$0x4], $0xC000, $0x38;
	[tilespmem:$0x18800] =	vst v63  }
0x2d: {  	_ =	swait.ge [sflag:s13], $0xC000  }
0x2e: {  	[sflag:s13] =	ssyncset.done $0x0  }
0x2f: {  	s18 =	simm.s32 $0x280;
	[sflag:s13] =	ssyncadd.s32 $0xFFFF4000  }
0x30: {  	[tilespmem:s9], [sflag:$0x2] =	stream.indirect.gather [hbm4b:s2+s6], $0x4000, s18, s6, $0xb8;
	[tilespmem:$0x18800] =	vst v63  }
0x31: {  	_ =	swait.ge [sflag:s10], $0xC000  }
0x32: {  	[sflag:s10] =	ssyncset.done $0x0  }
0x33: {  	s19 =	sadd.s32 $0x6000, s4;
	[sflag:s10] =	ssyncadd.s32 $0xFFFF4000  }
0x34: {  	[hbm4b:s19+s3] =	stream.linear.scatter [tilespmem:s7], [sflag:$0x3], $0xC000, $0x38;
	[tilespmem:$0x18800] =	vst v63  }
0x35: {  	_ =	swait.ge [sflag:s6], $0xC000  }
0x36: {  	[sflag:s6] =	ssyncset.done $0x0  }
0x37: {  	s20 =	simm.s32 $0x300;
	[sflag:s6] =	ssyncadd.s32 $0xFFFF4000  }
0x38: {  	[tilespmem:s7], [sflag:$0x1] =	stream.indirect.gather [hbm4b:s2+s6], $0x4000, s20, s6, $0xb8;
	[tilespmem:$0x18800] =	vst v63  }
0x39: {  	_ =	swait.ge [sflag:s12], $0xC000  }
0x3a: {  	[sflag:s12] =	ssyncset.done $0x0  }
0x3b: {  	s21 =	sadd.s32 $0x7800, s4;
	[sflag:s12] =	ssyncadd.s32 $0xFFFF4000  }
0x3c: {  	[hbm4b:s21+s3] =	stream.linear.scatter [tilespmem:s9], [sflag:$0x4], $0xC000, $0x38;
	[tilespmem:$0x18800] =	vst v63  }
0x3d: {  	_ =	swait.ge [sflag:s13], $0xC000  }
0x3e: {  	[sflag:s13] =	ssyncset.done $0x0  }
0x3f: {  	s22 =	simm.s32 $0x380;
	[sflag:s13] =	ssyncadd.s32 $0xFFFF4000  }
0x40: {  	[tilespmem:s9], [sflag:$0x2] =	stream.indirect.gather [hbm4b:s2+s6], $0x4000, s22, s6, $0xb8;
	[tilespmem:$0x18800] =	vst v63  }
0x41: {  	_ =	swait.ge [sflag:s10], $0xC000  }
0x42: {  	[sflag:s10] =	ssyncset.done $0x0  }
0x43: {  	s23 =	sadd.s32 $0x9000, s4;
	[sflag:s10] =	ssyncadd.s32 $0xFFFF4000  }
0x44: {  	[hbm4b:s23+s3] =	stream.linear.scatter [tilespmem:s7], [sflag:$0x3], $0xC000, $0x38;
	[tilespmem:$0x18800] =	vst v63  }
0x45: {  	_ =	swait.ge [sflag:s6], $0xC000  }
0x46: {  	[sflag:s6] =	ssyncset.done $0x0  }
0x47: {  	s24 =	simm.s32 $0x400;
	[sflag:s6] =	ssyncadd.s32 $0xFFFF4000  }
0x48: {  	[tilespmem:s7], [sflag:$0x1] =	stream.indirect.gather [hbm4b:s2+s6], $0x4000, s24, s6, $0xb8;
	[tilespmem:$0x18800] =	vst v63  }
0x49: {  	_ =	swait.ge [sflag:s12], $0xC000  }
0x4a: {  	[sflag:s12] =	ssyncset.done $0x0  }
0x4b: {  	s25 =	sadd.s32 $0xA800, s4;
	[sflag:s12] =	ssyncadd.s32 $0xFFFF4000  }
0x4c: {  	[hbm4b:s25+s3] =	stream.linear.scatter [tilespmem:s9], [sflag:$0x4], $0xC000, $0x38;
	[tilespmem:$0x18800] =	vst v63  }
0x4d: {  	_ =	swait.ge [sflag:s13], $0xC000  }
0x4e: {  	[sflag:s13] =	ssyncset.done $0x0  }
0x4f: {  	s26 =	simm.s32 $0x480;
	[sflag:s13] =	ssyncadd.s32 $0xFFFF4000  }
0x50: {  	[tilespmem:s9], [sflag:$0x2] =	stream.indirect.gather [hbm4b:s2+s6], $0x4000, s26, s6, $0xb8;
	[tilespmem:$0x18800] =	vst v63  }
0x51: {  	_ =	swait.ge [sflag:s10], $0xC000  }
0x52: {  	[sflag:s10] =	ssyncset.done $0x0  }
0x53: {  	s28 =	sadd.s32 $0xC000, s4;
	[sflag:s10] =	ssyncadd.s32 $0xFFFF4000  }
0x54: {  	[hbm4b:s28+s3] =	stream.linear.scatter [tilespmem:s7], [sflag:$0x3], $0xC000, $0x38;
	[tilespmem:$0x18800] =	vst v63  }
0x55: {  	_ =	swait.ge [sflag:s6], $0xC000  }
0x56: {  	[sflag:s6] =	ssyncset.done $0x0  }
0x57: {  	s29 =	simm.s32 $0x500;
	[sflag:s6] =	ssyncadd.s32 $0xFFFF4000  }
0x58: {  	[tilespmem:s7], [sflag:$0x1] =	stream.indirect.gather [hbm4b:s2+s12], $0x4000, s29, s12, $0xb8;
	[tilespmem:$0x18800] =	vst v63  }
0x59: {  	_ =	swait.ge [sflag:s12], $0xC000  }
0x5a: {  	s1 =	ssub.s32 $0x2, s1;
	[sflag:s12] =	ssyncset.done $0x0  }
0x5b: {  	s0 =	sshrl.u32 s1, $0x1;
	s30 =	sadd.s32 $0xD800, s4;
	[sflag:s12] =	ssyncadd.s32 $0xFFFF4000  }
0x5c: {  	[hbm4b:s30+s3] =	stream.linear.scatter [tilespmem:s9], [sflag:$0x4], $0xC000, $0x38;
	[tilespmem:$0x18800] =	vst v63  }
0x5d: {  	s0 =	ssub.s32 s1, s0;
	_ =	swait.ge [sflag:s10], $0x8000  }
0x5e: {  	s0 =	smax.u32 s0, $0x1;
	[sflag:s10] =	ssyncset.done $0x0  }
0x5f: {  	p0 =	sne.s32 s0, $0x1;
	s31 =	sadd.s32 $0xF000, s4;
	[sflag:s10] =	ssyncadd.s32 $0xFFFF8000  }
0x60: {  	[hbm4b:s31+s3] =	stream.linear.scatter [tilespmem:s7], [sflag:$0x3], $0x8000, $0x38;
	[tilespmem:$0x18800] =	vst v63  }
.Ltmp0:
0x61: {  	_ =	swait.ge [sflag:s13], $0xC000;
	(pc) =	sbr.rel @!p0 .LBB2_2-.Ltmp0, $4  }
0x62: {  	[sflag:s13] =	ssyncset.done $0x0  }
0x63: {  	[sflag:s13] =	ssyncadd.s32 $0xFFFF4000  }
0x64: {  	_ =	swait.ge [sflag:s6], $0x8000  }
0x65: {  	s1 =	sadd.s32 $0xFFFFFFFF, s0;
	[sflag:s6] =	ssyncset.done $0x0  }
.LBB2_1:
0x66: {  	s0 =	rddreg [dreg:$0x4];
	[sflag:s6] =	ssyncadd.s32 $0xFFFF8000  }
0x67: {  	[tilespmem:s3], [sflag:$0x5] =	stream.linear.gather [hbm4b:s0+s3], $0x580, $0x38;
	[tilespmem:$0x18800] =	vst v63  }
0x68: {  	_ =	swait.ge [sflag:s5], $0x580  }
0x69: {  	[sflag:s5] =	ssyncset.done $0x0  }
0x6a: {  	[sflag:s5] =	ssyncadd.s32 $0xFFFFFA80  }
0x6b: {  	[tilespmem:s7], [sflag:$0x1] =	stream.indirect.gather [hbm4b:s2+s6], $0x4000, s3, s6, $0xb8;
	[tilespmem:$0x18800] =	vst v63  }
0x6c: {  	_ = 	snop  }
0x6d: {  	[tilespmem:s9], [sflag:$0x2] =	stream.indirect.gather [hbm4b:s2+s6], $0x4000, s8, s6, $0xb8;
	[tilespmem:$0x18800] =	vst v63  }
0x6e: {  	_ =	swait.ge [sflag:s10], $0xC000  }
0x6f: {  	[sflag:s10] =	ssyncset.done $0x0  }
0x70: {  	[sflag:s10] =	ssyncadd.s32 $0xFFFF4000  }
0x71: {  	[hbm4b:s4+s3] =	stream.linear.scatter [tilespmem:s7], [sflag:$0x3], $0xC000, $0x38;
	[tilespmem:$0x18800] =	vst v63  }
0x72: {  	_ =	swait.ge [sflag:s6], $0xC000  }
0x73: {  	[sflag:s6] =	ssyncset.done $0x0  }
0x74: {  	[sflag:s6] =	ssyncadd.s32 $0xFFFF4000  }
0x75: {  	[tilespmem:s7], [sflag:$0x1] =	stream.indirect.gather [hbm4b:s2+s6], $0x4000, s11, s6, $0xb8;
	[tilespmem:$0x18800] =	vst v63  }
0x76: {  	_ =	swait.ge [sflag:s12], $0xC000  }
0x77: {  	[sflag:s12] =	ssyncset.done $0x0  }
0x78: {  	s0 =	rddreg [dreg:$0x5];
	[sflag:s12] =	ssyncadd.s32 $0xFFFF4000  }
0x79: {  	[hbm4b:s0+s3] =	stream.linear.scatter [tilespmem:s9], [sflag:$0x4], $0xC000, $0x38;
	[tilespmem:$0x18800] =	vst v63  }
0x7a: {  	_ =	swait.ge [sflag:s13], $0xC000  }
0x7b: {  	[sflag:s13] =	ssyncset.done $0x0  }
0x7c: {  	[sflag:s13] =	ssyncadd.s32 $0xFFFF4000  }
0x7d: {  	[tilespmem:s9], [sflag:$0x2] =	stream.indirect.gather [hbm4b:s2+s6], $0x4000, s14, s6, $0xb8;
	[tilespmem:$0x18800] =	vst v63  }
0x7e: {  	_ =	swait.ge [sflag:s10], $0xC000  }
0x7f: {  	[sflag:s10] =	ssyncset.done $0x0  }
0x80: {  	[sflag:s10] =	ssyncadd.s32 $0xFFFF4000  }
0x81: {  	[hbm4b:s15+s3] =	stream.linear.scatter [tilespmem:s7], [sflag:$0x3], $0xC000, $0x38;
	[tilespmem:$0x18800] =	vst v63  }
0x82: {  	_ =	swait.ge [sflag:s6], $0xC000  }
0x83: {  	[sflag:s6] =	ssyncset.done $0x0  }
0x84: {  	[sflag:s6] =	ssyncadd.s32 $0xFFFF4000  }
0x85: {  	[tilespmem:s7], [sflag:$0x1] =	stream.indirect.gather [hbm4b:s2+s6], $0x4000, s16, s6, $0xb8;
	[tilespmem:$0x18800] =	vst v63  }
0x86: {  	_ =	swait.ge [sflag:s12], $0xC000  }
0x87: {  	[sflag:s12] =	ssyncset.done $0x0  }
0x88: {  	[sflag:s12] =	ssyncadd.s32 $0xFFFF4000  }
0x89: {  	[hbm4b:s17+s3] =	stream.linear.scatter [tilespmem:s9], [sflag:$0x4], $0xC000, $0x38;
	[tilespmem:$0x18800] =	vst v63  }
0x8a: {  	_ =	swait.ge [sflag:s13], $0xC000  }
0x8b: {  	[sflag:s13] =	ssyncset.done $0x0  }
0x8c: {  	[sflag:s13] =	ssyncadd.s32 $0xFFFF4000  }
0x8d: {  	[tilespmem:s9], [sflag:$0x2] =	stream.indirect.gather [hbm4b:s2+s6], $0x4000, s18, s6, $0xb8;
	[tilespmem:$0x18800] =	vst v63  }
0x8e: {  	_ =	swait.ge [sflag:s10], $0xC000  }
0x8f: {  	[sflag:s10] =	ssyncset.done $0x0  }
0x90: {  	[sflag:s10] =	ssyncadd.s32 $0xFFFF4000  }
0x91: {  	[hbm4b:s19+s3] =	stream.linear.scatter [tilespmem:s7], [sflag:$0x3], $0xC000, $0x38;
	[tilespmem:$0x18800] =	vst v63  }
0x92: {  	_ =	swait.ge [sflag:s6], $0xC000  }
0x93: {  	[sflag:s6] =	ssyncset.done $0x0  }
0x94: {  	[sflag:s6] =	ssyncadd.s32 $0xFFFF4000  }
0x95: {  	[tilespmem:s7], [sflag:$0x1] =	stream.indirect.gather [hbm4b:s2+s6], $0x4000, s20, s6, $0xb8;
	[tilespmem:$0x18800] =	vst v63  }
0x96: {  	_ =	swait.ge [sflag:s12], $0xC000  }
0x97: {  	[sflag:s12] =	ssyncset.done $0x0  }
0x98: {  	[sflag:s12] =	ssyncadd.s32 $0xFFFF4000  }
0x99: {  	[hbm4b:s21+s3] =	stream.linear.scatter [tilespmem:s9], [sflag:$0x4], $0xC000, $0x38;
	[tilespmem:$0x18800] =	vst v63  }
0x9a: {  	_ =	swait.ge [sflag:s13], $0xC000  }
0x9b: {  	[sflag:s13] =	ssyncset.done $0x0  }
0x9c: {  	[sflag:s13] =	ssyncadd.s32 $0xFFFF4000  }
0x9d: {  	[tilespmem:s9], [sflag:$0x2] =	stream.indirect.gather [hbm4b:s2+s6], $0x4000, s22, s6, $0xb8;
	[tilespmem:$0x18800] =	vst v63  }
0x9e: {  	_ =	swait.ge [sflag:s10], $0xC000  }
0x9f: {  	[sflag:s10] =	ssyncset.done $0x0  }
0xa0: {  	[sflag:s10] =	ssyncadd.s32 $0xFFFF4000  }
0xa1: {  	[hbm4b:s23+s3] =	stream.linear.scatter [tilespmem:s7], [sflag:$0x3], $0xC000, $0x38;
	[tilespmem:$0x18800] =	vst v63  }
0xa2: {  	_ =	swait.ge [sflag:s6], $0xC000  }
0xa3: {  	[sflag:s6] =	ssyncset.done $0x0  }
0xa4: {  	[sflag:s6] =	ssyncadd.s32 $0xFFFF4000  }
0xa5: {  	[tilespmem:s7], [sflag:$0x1] =	stream.indirect.gather [hbm4b:s2+s6], $0x4000, s24, s6, $0xb8;
	[tilespmem:$0x18800] =	vst v63  }
0xa6: {  	_ =	swait.ge [sflag:s12], $0xC000  }
0xa7: {  	[sflag:s12] =	ssyncset.done $0x0  }
0xa8: {  	[sflag:s12] =	ssyncadd.s32 $0xFFFF4000  }
0xa9: {  	[hbm4b:s25+s3] =	stream.linear.scatter [tilespmem:s9], [sflag:$0x4], $0xC000, $0x38;
	[tilespmem:$0x18800] =	vst v63  }
0xaa: {  	_ =	swait.ge [sflag:s13], $0xC000  }
0xab: {  	[sflag:s13] =	ssyncset.done $0x0  }
0xac: {  	[sflag:s13] =	ssyncadd.s32 $0xFFFF4000  }
0xad: {  	[tilespmem:s9], [sflag:$0x2] =	stream.indirect.gather [hbm4b:s2+s6], $0x4000, s26, s6, $0xb8;
	[tilespmem:$0x18800] =	vst v63  }
0xae: {  	_ =	swait.ge [sflag:s10], $0xC000  }
0xaf: {  	[sflag:s10] =	ssyncset.done $0x0  }
0xb0: {  	[sflag:s10] =	ssyncadd.s32 $0xFFFF4000  }
0xb1: {  	[hbm4b:s28+s3] =	stream.linear.scatter [tilespmem:s7], [sflag:$0x3], $0xC000, $0x38;
	[tilespmem:$0x18800] =	vst v63  }
0xb2: {  	_ =	swait.ge [sflag:s6], $0xC000  }
0xb3: {  	[sflag:s6] =	ssyncset.done $0x0  }
0xb4: {  	[sflag:s6] =	ssyncadd.s32 $0xFFFF4000  }
0xb5: {  	[tilespmem:s7], [sflag:$0x1] =	stream.indirect.gather [hbm4b:s2+s12], $0x4000, s29, s12, $0xb8;
	[tilespmem:$0x18800] =	vst v63  }
0xb6: {  	_ =	swait.ge [sflag:s12], $0xC000  }
0xb7: {  	[sflag:s12] =	ssyncset.done $0x0  }
0xb8: {  	[sflag:s12] =	ssyncadd.s32 $0xFFFF4000  }
0xb9: {  	[hbm4b:s30+s3] =	stream.linear.scatter [tilespmem:s9], [sflag:$0x4], $0xC000, $0x38;
	[tilespmem:$0x18800] =	vst v63  }
0xba: {  	_ =	swait.ge [sflag:s10], $0x8000  }
0xbb: {  	[sflag:s10] =	ssyncset.done $0x0  }
0xbc: {  	p0 =	sne.s32 s1, $0x1;
	[sflag:s10] =	ssyncadd.s32 $0xFFFF8000  }
0xbd: {  	[hbm4b:s31+s3] =	stream.linear.scatter [tilespmem:s7], [sflag:$0x3], $0x8000, $0x38;
	[tilespmem:$0x18800] =	vst v63  }
.Ltmp1:
0xbe: {  	_ =	swait.ge [sflag:s13], $0xC000;
	(pc) =	sbr.rel @p0 .LBB2_1-.Ltmp1, $4  }
0xbf: {  	[sflag:s13] =	ssyncset.done $0x0  }
0xc0: {  	[sflag:s13] =	ssyncadd.s32 $0xFFFF4000  }
0xc1: {  	_ =	swait.ge [sflag:s6], $0x8000  }
0xc2: {  	s1 =	sadd.s32 $0xFFFFFFFF, s1;
	[sflag:s6] =	ssyncset.done $0x0  }
.LBB2_2:
0xc3: {  	[sflag:s6] =	ssyncadd.s32 $0xFFFF8000  }
0xc4: {  	_ =	sfence.sel $0x180000  }
0xc5: {  	[bflag:$0x0] =	sbarrier.arrive $0xFFFF  }
0xc6: {  	_ =	strace $0x90000047  }
0xc7: {  	s0 =	stileid.u32;
	[bflag:$0x2] =	sbarrier.arrive $0xFFFF  }
0xc8: {  	p0 =	sne.s32 s0, $0x0;
	s0 =	rddreg [dreg:$0x3]  }
0xc9: {  	s0 =	sadd.s32 @!p0 $0x100000, s0  }
0xca: {  	[sflag:s0] =	ssyncadd.tile.s32 @!p0 $0x1;
	_ =	shalt  }
.Lfunc_end2:
_tile_overlayer_lowered:
.L_overlay_start_2:
0xcb: {  	(tag) =	ssettag $0x2  }
0xcc: {  	s0 =	rddreg [dreg:$0x0];
	s2 =	stileid.u32  }
0xcd: {  	s1 =	rddreg [dreg:$0x1];
	p0 =	sne.s32 s2, $0x0  }
0xce: {  	s3 =	rddreg [dreg:$0x2];
	[bflag:$0x3] =	sbarrier.arrive $0xFFFF;
	s2 =	simm.s32 @!p0 $0x1C05  }
0xcf: {  	[timem:s3], [sflag:s2] =	dma.local @!p0 [hbm:s0], s1  }
0xd0: {  	s0 =	simm.s32 @!p0 $0x5  }
0xd1: {  	_ =	swait.ge @!p0 [sflag:s0], s1  }
0xd2: {  	s1 =	ssub.s32 @!p0 $0x0, s1;
	[sflag:s0] =	ssyncset.done @!p0 $0x0  }
0xd3: {  	[sflag:s0] =	ssyncadd.s32 @!p0 s1  }
0xd4: {  	[bflag:$0x3] =	sbarrier.arrive $0xFFFF  }
0xd5: {  	_ =	shalt  }

</sc_bundles>
